<compile_context>
chip_gen: v7x
topology: tpu7x:2x2x1
jax: 0.10.2.dev20260603
libtpu: 0.0.44.dev20260713+nightly
codegen_flags: <defaults>
</compile_context>

<pallas_src>
import functools

import jax
import jax.numpy as jnp
from jax import lax
from jax.experimental import pallas as pl
from jax.experimental.pallas import tpu as pltpu
from jax.experimental.pallas import tpu_sc as plsc

R_MAX = 5.0
B_RMAX = 1.01
B_RMIN = -1.01
NUM_BASIS = 128
_LANES = 16


def _newton_rsqrt(x):
    i = plsc.bitcast(x, jnp.int32)
    i = jnp.int32(0x5F3759DF) - lax.shift_right_logical(i, 1)
    y = plsc.bitcast(i, jnp.float32)
    y = y * (1.5 - 0.5 * x * y * y)
    y = y * (1.5 - 0.5 * x * y * y)
    y = y * (1.5 - 0.5 * x * y * y)
    return y


def _sc_edge_scalars(pos_flat, spin_flat, row, col):
    n_edges = row.shape[0]
    n_words = pos_flat.shape[0]
    try:
        info = plsc.get_sparse_core_info()
        num_cores, num_subcores = info.num_cores, info.num_subcores
    except ValueError:
        num_cores, num_subcores = 2, 16
    nw = num_cores * num_subcores
    epw = n_edges // nw
    assert epw * nw == n_edges and epw % _LANES == 0 and epw % 8 == 0

    mesh = plsc.VectorSubcoreMesh(
        core_axis_name="c", subcore_axis_name="s",
        num_cores=num_cores, num_subcores=num_subcores)

    @functools.partial(
        pl.kernel,
        out_type=(
            jax.ShapeDtypeStruct((n_edges,), jnp.float32),
            jax.ShapeDtypeStruct((n_edges,), jnp.float32),
        ),
        mesh=mesh,
        compiler_params=pltpu.CompilerParams(needs_layout_passes=False),
        scratch_types=[
            pltpu.VMEM((n_words,), jnp.float32),
            pltpu.VMEM((n_words,), jnp.float32),
            pltpu.VMEM((epw,), jnp.int32),
            pltpu.VMEM((epw,), jnp.int32),
            pltpu.VMEM((epw,), jnp.float32),
            pltpu.VMEM((epw,), jnp.float32),
        ],
    )
    def sc_kernel(pos_hbm, spin_hbm, row_hbm, col_hbm, theta_hbm, scale_hbm,
                  pos_v, spin_v, row_v, col_v, theta_v, scale_v):
        wid = lax.axis_index("s") * num_cores + lax.axis_index("c")
        base = wid * epw
        pltpu.sync_copy(pos_hbm, pos_v)
        pltpu.sync_copy(spin_hbm, spin_v)
        pltpu.sync_copy(row_hbm.at[pl.ds(base, epw)], row_v)
        pltpu.sync_copy(col_hbm.at[pl.ds(base, epw)], col_v)

        def body(i, _):
            off = i * _LANES
            r3 = row_v[pl.ds(off, _LANES)] * 3
            c3 = col_v[pl.ds(off, _LANES)] * 3
            dx = plsc.load_gather(pos_v, [r3]) - plsc.load_gather(pos_v, [c3])
            dy = (plsc.load_gather(pos_v, [r3 + 1])
                  - plsc.load_gather(pos_v, [c3 + 1]))
            dz = (plsc.load_gather(pos_v, [r3 + 2])
                  - plsc.load_gather(pos_v, [c3 + 2]))
            sxr = plsc.load_gather(spin_v, [r3])
            syr = plsc.load_gather(spin_v, [r3 + 1])
            szr = plsc.load_gather(spin_v, [r3 + 2])
            sxc = plsc.load_gather(spin_v, [c3])
            syc = plsc.load_gather(spin_v, [c3 + 1])
            szc = plsc.load_gather(spin_v, [c3 + 2])

            d2 = dx * dx + dy * dy + dz * dz + 1e-12
            r_len = d2 * _newton_rsqrt(d2)
            x = r_len * (1.0 / R_MAX)
            x3 = x * x * x
            x6 = x3 * x3
            x7 = x6 * x
            x8 = x7 * x
            cut = 1.0 - 28.0 * x6 + 48.0 * x7 - 21.0 * x8
            cut = jnp.where(x < 1.0, cut, 0.0)

            sr2 = sxr * sxr + syr * syr + szr * szr
            sc2 = sxc * sxc + syc * syc + szc * szc
            snr = sr2 * _newton_rsqrt(sr2)
            snc = sc2 * _newton_rsqrt(sc2)
            dot = sxr * sxc + syr * syc + szr * szc
            sisj = dot / ((snr + 1e-9) * (snc + 1e-9))

            theta_v[pl.ds(off, _LANES)] = (
                (sisj - B_RMIN) * (0.5 / (B_RMAX - B_RMIN)))
            scale_v[pl.ds(off, _LANES)] = sr2 * sc2 * cut
            return ()

        lax.fori_loop(0, epw // _LANES, body, (), unroll=False)
        pltpu.sync_copy(theta_v, theta_hbm.at[pl.ds(base, epw)])
        pltpu.sync_copy(scale_v, scale_hbm.at[pl.ds(base, epw)])

    return sc_kernel(pos_flat, spin_flat, row, col)


_COS_POLY = (0.99999998906233145, -19.739204499762209, 64.939117467842323,
             -85.450139613558932, 60.167631326705617, -25.967599889485943,
             6.5286582592453151)
_RND_MAGIC = 12582912.0


def _tc_copy_body(ef_ref, out_ref):
    out_ref[...] = ef_ref[...]


def _tc_cos_body(_out_hbm, phsc_ref, out_ref):
    ph_sc = phsc_ref[0]
    hi = ph_sc.astype(jnp.bfloat16)
    r1 = ph_sc - hi.astype(jnp.float32)
    mid = r1.astype(jnp.bfloat16)
    lo = (r1 - mid.astype(jnp.float32)).astype(jnp.bfloat16)
    lhs = jnp.concatenate([hi, mid, lo], axis=0)
    colidx = lax.broadcasted_iota(jnp.int32, (6, 2 * NUM_BASIS), 1)
    rowidx = lax.broadcasted_iota(jnp.int32, (6, 2 * NUM_BASIS), 0)
    in_right = colidx >= NUM_BASIS
    rhs = jnp.where(rowidx % 2 == 0,
                    jnp.where(in_right, 0.0, colidx.astype(jnp.float32)),
                    jnp.where(in_right, 1.0, 0.0)).astype(jnp.bfloat16)
    both = lax.dot_general(
        lhs, rhs,
        dimension_numbers=(((0,), (0,)), ((), ())),
        preferred_element_type=jnp.float32)
    t = both[:, :NUM_BASIS]
    sc_b = both[:, NUM_BASIS:]
    r = t - ((t + _RND_MAGIC) - _RND_MAGIC)
    s = r * r
    p = jnp.float32(_COS_POLY[6])
    for c in _COS_POLY[5::-1]:
        p = p * s + jnp.float32(c)
    out_ref[...] = p * sc_b


def _tc_assemble(edge_features, phi, scale):
    n_edges, d_feat = edge_features.shape
    be = 8000
    assert n_edges % be == 0
    grid = (n_edges // be,)
    phsc = jnp.stack(
        [phi.reshape(grid[0], be), scale.reshape(grid[0], be)], axis=1)
    out_shape = jax.ShapeDtypeStruct(
        (n_edges, d_feat + NUM_BASIS), jnp.float32)
    left = pl.pallas_call(
        _tc_copy_body,
        grid=grid,
        in_specs=[pl.BlockSpec((be, d_feat), lambda i: (i, 0))],
        out_specs=pl.BlockSpec((be, d_feat), lambda i: (i, 0)),
        out_shape=out_shape,
        compiler_params=pltpu.CompilerParams(
            dimension_semantics=("arbitrary",)),
    )(edge_features)
    return pl.pallas_call(
        _tc_cos_body,
        grid=grid,
        in_specs=[
            pl.BlockSpec(memory_space=pltpu.MemorySpace.HBM),
            pl.BlockSpec((1, 2, be), lambda i: (i, 0, 0)),
        ],
        out_specs=pl.BlockSpec((be, NUM_BASIS), lambda i: (i, 1)),
        out_shape=out_shape,
        input_output_aliases={0: 0},
        compiler_params=pltpu.CompilerParams(
            dimension_semantics=("arbitrary",)),
    )(left, phsc)


def kernel(edge_features, edge_index, pos, spin):
    row = edge_index[0]
    col = edge_index[1]
    phi, scale = _sc_edge_scalars(
        pos.reshape(-1), spin.reshape(-1), row, col)
    return _tc_assemble(edge_features, phi, scale)

# --- scband reference (transcript-rebuilt; emitter-appended) ---
"""Pipeline reference for scband-edge-scalar-add-spin-87213605913079 (READ-ONLY COPY).

The authoritative reference and input builder live on the scoring server;
editing this copy changes nothing except your own understanding.
"""

import jax, jax.numpy as jnp
import numpy as np

N_NODES = 10000
N_EDGES = 320000
D_FEAT = 128
NUM_BASIS = 128
R_MAX = 5.0
P = 6.0
B_RMAX = 1.01
B_RMIN = -1.01


def setup_inputs(seed: int = 0):
    key = jax.random.key(seed)
    k1, k2, k3, k4 = jax.random.split(key, 4)
    edge_features = jax.random.normal(k1, (N_EDGES, D_FEAT), dtype=jnp.float32)
    edge_index = jax.random.randint(k2, (2, N_EDGES), 0, N_NODES, dtype=jnp.int32)
    pos = jax.random.uniform(k3, (N_NODES, 3), dtype=jnp.float32)
    spin = jax.random.normal(k4, (N_NODES, 3), dtype=jnp.float32)
    return {"edge_features": edge_features, "edge_index": edge_index, "pos": pos, "spin": spin}


def _fourier_basis(x):
    # Fourier (cosine) basis on [B_RMIN, B_RMAX] with NUM_BASIS functions
    xs = (x - B_RMIN) / (B_RMAX - B_RMIN)
    n = jnp.arange(NUM_BASIS, dtype=jnp.float32)
    return jnp.cos(n[None, :] * jnp.pi * xs[:, None])


def _poly_cutoff(r):
    # NequIP-style polynomial cutoff, p = P, r_max = R_MAX
    x = r / R_MAX
    out = (1.0
           - ((P + 1.0) * (P + 2.0) / 2.0) * jnp.power(x, P)
           + P * (P + 2.0) * jnp.power(x, P + 1.0)
           - (P * (P + 1.0) / 2.0) * jnp.power(x, P + 2.0))
    return out * (x < 1.0).astype(out.dtype)


def reference(edge_features, edge_index, pos, spin):
    row = edge_index[0]
    col = edge_index[1]
    # with_edge_vectors(with_lengths=True)
    edge_vec = jnp.take(pos, row, axis=0) - jnp.take(pos, col, axis=0)
    edge_length = jnp.sqrt(jnp.sum(edge_vec * edge_vec, axis=-1) + 1e-12)
    # with_edge_sisj: normalized spin dot product per edge (in [-1, 1])
    spin_hat = spin / (jnp.sqrt(jnp.sum(spin * spin, axis=-1, keepdims=True)) + 1e-9)
    sisj_dot = jnp.sum(jnp.take(spin_hat, row, axis=0) * jnp.take(spin_hat, col, axis=0), axis=-1)
    # spin magnitude squared per node
    spin_square = jnp.sum(spin * spin, axis=-1)[:, None]
    basis = _fourier_basis(sisj_dot.reshape(-1))
    edge_sisj_embedded = (basis
                          * jnp.take(spin_square, col, axis=0)
                          * jnp.take(spin_square, row, axis=0)
                          * _poly_cutoff(edge_length)[:, None])
    edge_embedded = jnp.concatenate([edge_features, edge_sisj_embedded], axis=-1)
    return edge_embedded

if __name__ == "__main__":
    import jax
    _d = setup_inputs()
    print(jax.jit(kernel)(*tuple(_d.values())))

</pallas_src>

<mosaic_0001>
#map = affine_map<(d0, d1) -> (0)>
module attributes {stable_mosaic.version = 14 : i64} {
  func.func @sc_kernel(%arg0: i32, %arg1: i32, %arg2: memref<30000xf32, #tpu.memory_space<hbm>>, %arg3: memref<30000xf32, #tpu.memory_space<hbm>>, %arg4: memref<320000xi32, #tpu.memory_space<hbm>>, %arg5: memref<320000xi32, #tpu.memory_space<hbm>>, %arg6: memref<320000xf32, #tpu.memory_space<hbm>>, %arg7: memref<320000xf32, #tpu.memory_space<hbm>>, %arg8: memref<30000xf32, #tpu.memory_space<vmem>>, %arg9: memref<30000xf32, #tpu.memory_space<vmem>>, %arg10: memref<10000xi32, #tpu.memory_space<vmem>>, %arg11: memref<10000xi32, #tpu.memory_space<vmem>>, %arg12: memref<10000xf32, #tpu.memory_space<vmem>>, %arg13: memref<10000xf32, #tpu.memory_space<vmem>>) attributes {dimension_semantics = [#tpu.dimension_semantics<core_parallel>, #tpu.dimension_semantics<subcore_parallel>], iteration_bounds = array<i64: 2, 16>, scalar_prefetch = 0 : i64, scratch_operands = 6 : i64, tpu.core_type = #tpu.core_type<sc_vector_subcore>, window_params = [{transform_indices = #map}, {transform_indices = #map}, {transform_indices = #map}, {transform_indices = #map}, {transform_indices = #map}, {transform_indices = #map}]} {
    %mul3A = arith.constant 2 : i32
    %mul3A_0 = arith.muli %arg1, %mul3A : i32
    %add3A = arith.addi %mul3A_0, %arg0 : i32
    %mul3A_1 = arith.constant 10000 : i32
    %mul3A_2 = arith.muli %add3A, %mul3A_1 : i32
    "tpu.region"() ({
      %run_scoped3A = tpu.sem_alloc : memref<!tpu.dma_semaphore, #tpu.memory_space<semaphore_mem>>
      tpu.enqueue_dma source(%arg2 : memref<30000xf32, #tpu.memory_space<hbm>>) target(%arg8 : memref<30000xf32, #tpu.memory_space<vmem>>) target_semaphore(%run_scoped3A : memref<!tpu.dma_semaphore, #tpu.memory_space<semaphore_mem>>)
      tpu.wait_dma2 semaphore(%run_scoped3A : memref<!tpu.dma_semaphore, #tpu.memory_space<semaphore_mem>>) src(%arg2 : memref<30000xf32, #tpu.memory_space<hbm>>) dst(%arg8 : memref<30000xf32, #tpu.memory_space<vmem>>)
      tpu.yield
    }) : () -> ()
    "tpu.region"() ({
      %run_scoped3A = tpu.sem_alloc : memref<!tpu.dma_semaphore, #tpu.memory_space<semaphore_mem>>
      tpu.enqueue_dma source(%arg3 : memref<30000xf32, #tpu.memory_space<hbm>>) target(%arg9 : memref<30000xf32, #tpu.memory_space<vmem>>) target_semaphore(%run_scoped3A : memref<!tpu.dma_semaphore, #tpu.memory_space<semaphore_mem>>)
      tpu.wait_dma2 semaphore(%run_scoped3A : memref<!tpu.dma_semaphore, #tpu.memory_space<semaphore_mem>>) src(%arg3 : memref<30000xf32, #tpu.memory_space<hbm>>) dst(%arg9 : memref<30000xf32, #tpu.memory_space<vmem>>)
      tpu.yield
    }) : () -> ()
    "tpu.region"() ({
      %run_scoped3A = tpu.sem_alloc : memref<!tpu.dma_semaphore, #tpu.memory_space<semaphore_mem>>
      %dma_start3A = tpu.memref_slice %arg4[%mul3A_2] : memref<320000xi32, #tpu.memory_space<hbm>> -> memref<10000xi32, #tpu.memory_space<hbm>>
      %dma_start3A_7 = tpu.memref_slice %arg4[%mul3A_2] : memref<320000xi32, #tpu.memory_space<hbm>> -> memref<10000xi32, #tpu.memory_space<hbm>>
      tpu.enqueue_dma source(%dma_start3A_7 : memref<10000xi32, #tpu.memory_space<hbm>>) target(%arg10 : memref<10000xi32, #tpu.memory_space<vmem>>) target_semaphore(%run_scoped3A : memref<!tpu.dma_semaphore, #tpu.memory_space<semaphore_mem>>)
      %dma_wait3A = tpu.memref_slice %arg4[%mul3A_2] : memref<320000xi32, #tpu.memory_space<hbm>> -> memref<10000xi32, #tpu.memory_space<hbm>>
      %dma_wait3A_8 = tpu.memref_slice %arg4[%mul3A_2] : memref<320000xi32, #tpu.memory_space<hbm>> -> memref<10000xi32, #tpu.memory_space<hbm>>
      tpu.wait_dma2 semaphore(%run_scoped3A : memref<!tpu.dma_semaphore, #tpu.memory_space<semaphore_mem>>) src(%dma_wait3A_8 : memref<10000xi32, #tpu.memory_space<hbm>>) dst(%arg10 : memref<10000xi32, #tpu.memory_space<vmem>>)
      tpu.yield
    }) : () -> ()
    "tpu.region"() ({
      %run_scoped3A = tpu.sem_alloc : memref<!tpu.dma_semaphore, #tpu.memory_space<semaphore_mem>>
      %dma_start3A = tpu.memref_slice %arg5[%mul3A_2] : memref<320000xi32, #tpu.memory_space<hbm>> -> memref<10000xi32, #tpu.memory_space<hbm>>
      %dma_start3A_7 = tpu.memref_slice %arg5[%mul3A_2] : memref<320000xi32, #tpu.memory_space<hbm>> -> memref<10000xi32, #tpu.memory_space<hbm>>
      tpu.enqueue_dma source(%dma_start3A_7 : memref<10000xi32, #tpu.memory_space<hbm>>) target(%arg11 : memref<10000xi32, #tpu.memory_space<vmem>>) target_semaphore(%run_scoped3A : memref<!tpu.dma_semaphore, #tpu.memory_space<semaphore_mem>>)
      %dma_wait3A = tpu.memref_slice %arg5[%mul3A_2] : memref<320000xi32, #tpu.memory_space<hbm>> -> memref<10000xi32, #tpu.memory_space<hbm>>
      %dma_wait3A_8 = tpu.memref_slice %arg5[%mul3A_2] : memref<320000xi32, #tpu.memory_space<hbm>> -> memref<10000xi32, #tpu.memory_space<hbm>>
      tpu.wait_dma2 semaphore(%run_scoped3A : memref<!tpu.dma_semaphore, #tpu.memory_space<semaphore_mem>>) src(%dma_wait3A_8 : memref<10000xi32, #tpu.memory_space<hbm>>) dst(%arg11 : memref<10000xi32, #tpu.memory_space<vmem>>)
      tpu.yield
    }) : () -> ()
    %scan3A = arith.constant 0 : i32
    %scan3A_3 = arith.constant 625 : i32
    %scan3A_4 = arith.addi %scan3A, %scan3A_3 : i32
    %scan3A_5 = arith.constant 1 : i32
    scf.for %scan3A_7 = %scan3A to %scan3A_4 step %scan3A_5  : i32 {
      %mul3A_8 = arith.constant 16 : i32
      %mul3A_9 = arith.muli %scan3A_7, %mul3A_8 : i32
      %get3A = arith.index_cast %mul3A_9 : i32 to index
      %get3A_10 = tpu.vector_load %arg10[%get3A] {strides = array<i32>} : memref<10000xi32, #tpu.memory_space<vmem>>, vector<16xi32>,
      %mul3A_11 = arith.constant 3 : i32
      %mul3A_12 = vector.broadcast %mul3A_11 : i32 to vector<16xi32>
      %mul3A_13 = arith.muli %get3A_10, %mul3A_12 : vector<16xi32>
      %get3A_14 = arith.index_cast %mul3A_9 : i32 to index
      %get3A_15 = tpu.vector_load %arg11[%get3A_14] {strides = array<i32>} : memref<10000xi32, #tpu.memory_space<vmem>>, vector<16xi32>,
      %mul3A_16 = arith.constant 3 : i32
      %mul3A_17 = vector.broadcast %mul3A_16 : i32 to vector<16xi32>
      %mul3A_18 = arith.muli %get3A_15, %mul3A_17 : vector<16xi32>
      %gather3A = tpu.vector_load_idx %arg8[%mul3A_13] : memref<30000xf32, #tpu.memory_space<vmem>>[vector<16xi32>], vector<16xf32>,
      %gather3A_19 = tpu.vector_load_idx %arg8[%mul3A_18] : memref<30000xf32, #tpu.memory_space<vmem>>[vector<16xi32>], vector<16xf32>,
      %sub3A = arith.subf %gather3A, %gather3A_19 : vector<16xf32>
      %add3A_20 = arith.constant 1 : i32
      %add3A_21 = vector.broadcast %add3A_20 : i32 to vector<16xi32>
      %add3A_22 = arith.addi %mul3A_13, %add3A_21 : vector<16xi32>
      %gather3A_23 = tpu.vector_load_idx %arg8[%add3A_22] : memref<30000xf32, #tpu.memory_space<vmem>>[vector<16xi32>], vector<16xf32>,
      %add3A_24 = arith.constant 1 : i32
      %add3A_25 = vector.broadcast %add3A_24 : i32 to vector<16xi32>
      %add3A_26 = arith.addi %mul3A_18, %add3A_25 : vector<16xi32>
      %gather3A_27 = tpu.vector_load_idx %arg8[%add3A_26] : memref<30000xf32, #tpu.memory_space<vmem>>[vector<16xi32>], vector<16xf32>,
      %sub3A_28 = arith.subf %gather3A_23, %gather3A_27 : vector<16xf32>
      %add3A_29 = arith.constant 2 : i32
      %add3A_30 = vector.broadcast %add3A_29 : i32 to vector<16xi32>
      %add3A_31 = arith.addi %mul3A_13, %add3A_30 : vector<16xi32>
      %gather3A_32 = tpu.vector_load_idx %arg8[%add3A_31] : memref<30000xf32, #tpu.memory_space<vmem>>[vector<16xi32>], vector<16xf32>,
      %add3A_33 = arith.constant 2 : i32
      %add3A_34 = vector.broadcast %add3A_33 : i32 to vector<16xi32>
      %add3A_35 = arith.addi %mul3A_18, %add3A_34 : vector<16xi32>
      %gather3A_36 = tpu.vector_load_idx %arg8[%add3A_35] : memref<30000xf32, #tpu.memory_space<vmem>>[vector<16xi32>], vector<16xf32>,
      %sub3A_37 = arith.subf %gather3A_32, %gather3A_36 : vector<16xf32>
      %gather3A_38 = tpu.vector_load_idx %arg9[%mul3A_13] : memref<30000xf32, #tpu.memory_space<vmem>>[vector<16xi32>], vector<16xf32>,
      %add3A_39 = arith.constant 1 : i32
      %add3A_40 = vector.broadcast %add3A_39 : i32 to vector<16xi32>
      %add3A_41 = arith.addi %mul3A_13, %add3A_40 : vector<16xi32>
      %gather3A_42 = tpu.vector_load_idx %arg9[%add3A_41] : memref<30000xf32, #tpu.memory_space<vmem>>[vector<16xi32>], vector<16xf32>,
      %add3A_43 = arith.constant 2 : i32
      %add3A_44 = vector.broadcast %add3A_43 : i32 to vector<16xi32>
      %add3A_45 = arith.addi %mul3A_13, %add3A_44 : vector<16xi32>
      %gather3A_46 = tpu.vector_load_idx %arg9[%add3A_45] : memref<30000xf32, #tpu.memory_space<vmem>>[vector<16xi32>], vector<16xf32>,
      %gather3A_47 = tpu.vector_load_idx %arg9[%mul3A_18] : memref<30000xf32, #tpu.memory_space<vmem>>[vector<16xi32>], vector<16xf32>,
      %add3A_48 = arith.constant 1 : i32
      %add3A_49 = vector.broadcast %add3A_48 : i32 to vector<16xi32>
      %add3A_50 = arith.addi %mul3A_18, %add3A_49 : vector<16xi32>
      %gather3A_51 = tpu.vector_load_idx %arg9[%add3A_50] : memref<30000xf32, #tpu.memory_space<vmem>>[vector<16xi32>], vector<16xf32>,
      %add3A_52 = arith.constant 2 : i32
      %add3A_53 = vector.broadcast %add3A_52 : i32 to vector<16xi32>
      %add3A_54 = arith.addi %mul3A_18, %add3A_53 : vector<16xi32>
      %gather3A_55 = tpu.vector_load_idx %arg9[%add3A_54] : memref<30000xf32, #tpu.memory_space<vmem>>[vector<16xi32>], vector<16xf32>,
      %mul3A_56 = arith.mulf %sub3A, %sub3A : vector<16xf32>
      %mul3A_57 = arith.mulf %sub3A_28, %sub3A_28 : vector<16xf32>
      %add3A_58 = arith.addf %mul3A_56, %mul3A_57 : vector<16xf32>
      %mul3A_59 = arith.mulf %sub3A_37, %sub3A_37 : vector<16xf32>
      %add3A_60 = arith.addf %add3A_58, %mul3A_59 : vector<16xf32>
      %add3A_61 = arith.constant 9.99999996E-13 : f32
      %add3A_62 = vector.broadcast %add3A_61 : f32 to vector<16xf32>
      %add3A_63 = arith.addf %add3A_60, %add3A_62 : vector<16xf32>
      %bitcast3A = vector.bitcast %add3A_63 : vector<16xf32> to vector<16xi32>
      %shift_right_logical3A = arith.constant 1 : i32
      %shift_right_logical3A_64 = vector.broadcast %shift_right_logical3A : i32 to vector<16xi32>
      %shift_right_logical3A_65 = arith.shrui %bitcast3A, %shift_right_logical3A_64 : vector<16xi32>
      %sub3A_66 = arith.constant 1597463007 : i32
      %sub3A_67 = vector.broadcast %sub3A_66 : i32 to vector<16xi32>
      %sub3A_68 = arith.subi %sub3A_67, %shift_right_logical3A_65 : vector<16xi32>
      %bitcast3A_69 = vector.bitcast %sub3A_68 : vector<16xi32> to vector<16xf32>
      %mul3A_70 = arith.constant 5.000000e-01 : f32
      %mul3A_71 = vector.broadcast %mul3A_70 : f32 to vector<16xf32>
      %mul3A_72 = arith.mulf %mul3A_71, %add3A_63 : vector<16xf32>
      %mul3A_73 = arith.mulf %mul3A_72, %bitcast3A_69 : vector<16xf32>
      %mul3A_74 = arith.mulf %mul3A_73, %bitcast3A_69 : vector<16xf32>
      %sub3A_75 = arith.constant 1.500000e+00 : f32
      %sub3A_76 = vector.broadcast %sub3A_75 : f32 to vector<16xf32>
      %sub3A_77 = arith.subf %sub3A_76, %mul3A_74 : vector<16xf32>
      %mul3A_78 = arith.mulf %bitcast3A_69, %sub3A_77 : vector<16xf32>
      %mul3A_79 = arith.constant 5.000000e-01 : f32
      %mul3A_80 = vector.broadcast %mul3A_79 : f32 to vector<16xf32>
      %mul3A_81 = arith.mulf %mul3A_80, %add3A_63 : vector<16xf32>
      %mul3A_82 = arith.mulf %mul3A_81, %mul3A_78 : vector<16xf32>
      %mul3A_83 = arith.mulf %mul3A_82, %mul3A_78 : vector<16xf32>
      %sub3A_84 = arith.constant 1.500000e+00 : f32
      %sub3A_85 = vector.broadcast %sub3A_84 : f32 to vector<16xf32>
      %sub3A_86 = arith.subf %sub3A_85, %mul3A_83 : vector<16xf32>
      %mul3A_87 = arith.mulf %mul3A_78, %sub3A_86 : vector<16xf32>
      %mul3A_88 = arith.constant 5.000000e-01 : f32
      %mul3A_89 = vector.broadcast %mul3A_88 : f32 to vector<16xf32>
      %mul3A_90 = arith.mulf %mul3A_89, %add3A_63 : vector<16xf32>
      %mul3A_91 = arith.mulf %mul3A_90, %mul3A_87 : vector<16xf32>
      %mul3A_92 = arith.mulf %mul3A_91, %mul3A_87 : vector<16xf32>
      %sub3A_93 = arith.constant 1.500000e+00 : f32
      %sub3A_94 = vector.broadcast %sub3A_93 : f32 to vector<16xf32>
      %sub3A_95 = arith.subf %sub3A_94, %mul3A_92 : vector<16xf32>
      %mul3A_96 = arith.mulf %mul3A_87, %sub3A_95 : vector<16xf32>
      %mul3A_97 = arith.mulf %add3A_63, %mul3A_96 : vector<16xf32>
      %mul3A_98 = arith.constant 2.000000e-01 : f32
      %mul3A_99 = vector.broadcast %mul3A_98 : f32 to vector<16xf32>
      %mul3A_100 = arith.mulf %mul3A_97, %mul3A_99 : vector<16xf32>
      %mul3A_101 = arith.mulf %mul3A_100, %mul3A_100 : vector<16xf32>
      %mul3A_102 = arith.mulf %mul3A_101, %mul3A_100 : vector<16xf32>
      %mul3A_103 = arith.mulf %mul3A_102, %mul3A_102 : vector<16xf32>
      %mul3A_104 = arith.mulf %mul3A_103, %mul3A_100 : vector<16xf32>
      %mul3A_105 = arith.mulf %mul3A_104, %mul3A_100 : vector<16xf32>
      %mul3A_106 = arith.constant 2.800000e+01 : f32
      %mul3A_107 = vector.broadcast %mul3A_106 : f32 to vector<16xf32>
      %mul3A_108 = arith.mulf %mul3A_107, %mul3A_103 : vector<16xf32>
      %sub3A_109 = arith.constant 1.000000e+00 : f32
      %sub3A_110 = vector.broadcast %sub3A_109 : f32 to vector<16xf32>
      %sub3A_111 = arith.subf %sub3A_110, %mul3A_108 : vector<16xf32>
      %mul3A_112 = arith.constant 4.800000e+01 : f32
      %mul3A_113 = vector.broadcast %mul3A_112 : f32 to vector<16xf32>
      %mul3A_114 = arith.mulf %mul3A_113, %mul3A_104 : vector<16xf32>
      %add3A_115 = arith.addf %sub3A_111, %mul3A_114 : vector<16xf32>
      %mul3A_116 = arith.constant 2.100000e+01 : f32
      %mul3A_117 = vector.broadcast %mul3A_116 : f32 to vector<16xf32>
      %mul3A_118 = arith.mulf %mul3A_117, %mul3A_105 : vector<16xf32>
      %sub3A_119 = arith.subf %add3A_115, %mul3A_118 : vector<16xf32>
      %lt3A = arith.constant 1.000000e+00 : f32
      %lt3A_120 = vector.broadcast %lt3A : f32 to vector<16xf32>
      %lt3A_121 = arith.cmpf olt, %mul3A_100, %lt3A_120 : vector<16xf32>
      %jit3A = arith.constant 0.000000e+00 : f32
      %broadcast_in_dim3A = vector.broadcast %jit3A : f32 to vector<16xf32>
      %select_n3A = arith.select %lt3A_121, %sub3A_119, %broadcast_in_dim3A : vector<16xi1>, vector<16xf32>
      %mul3A_122 = arith.mulf %gather3A_38, %gather3A_38 : vector<16xf32>
      %mul3A_123 = arith.mulf %gather3A_42, %gather3A_42 : vector<16xf32>
      %add3A_124 = arith.addf %mul3A_122, %mul3A_123 : vector<16xf32>
      %mul3A_125 = arith.mulf %gather3A_46, %gather3A_46 : vector<16xf32>
      %add3A_126 = arith.addf %add3A_124, %mul3A_125 : vector<16xf32>
      %mul3A_127 = arith.mulf %gather3A_47, %gather3A_47 : vector<16xf32>
      %mul3A_128 = arith.mulf %gather3A_51, %gather3A_51 : vector<16xf32>
      %add3A_129 = arith.addf %mul3A_127, %mul3A_128 : vector<16xf32>
      %mul3A_130 = arith.mulf %gather3A_55, %gather3A_55 : vector<16xf32>
      %add3A_131 = arith.addf %add3A_129, %mul3A_130 : vector<16xf32>
      %bitcast3A_132 = vector.bitcast %add3A_126 : vector<16xf32> to vector<16xi32>
      %shift_right_logical3A_133 = arith.constant 1 : i32
      %shift_right_logical3A_134 = vector.broadcast %shift_right_logical3A_133 : i32 to vector<16xi32>
      %shift_right_logical3A_135 = arith.shrui %bitcast3A_132, %shift_right_logical3A_134 : vector<16xi32>
      %sub3A_136 = arith.constant 1597463007 : i32
      %sub3A_137 = vector.broadcast %sub3A_136 : i32 to vector<16xi32>
      %sub3A_138 = arith.subi %sub3A_137, %shift_right_logical3A_135 : vector<16xi32>
      %bitcast3A_139 = vector.bitcast %sub3A_138 : vector<16xi32> to vector<16xf32>
      %mul3A_140 = arith.constant 5.000000e-01 : f32
      %mul3A_141 = vector.broadcast %mul3A_140 : f32 to vector<16xf32>
      %mul3A_142 = arith.mulf %mul3A_141, %add3A_126 : vector<16xf32>
      %mul3A_143 = arith.mulf %mul3A_142, %bitcast3A_139 : vector<16xf32>
      %mul3A_144 = arith.mulf %mul3A_143, %bitcast3A_139 : vector<16xf32>
      %sub3A_145 = arith.constant 1.500000e+00 : f32
      %sub3A_146 = vector.broadcast %sub3A_145 : f32 to vector<16xf32>
      %sub3A_147 = arith.subf %sub3A_146, %mul3A_144 : vector<16xf32>
      %mul3A_148 = arith.mulf %bitcast3A_139, %sub3A_147 : vector<16xf32>
      %mul3A_149 = arith.constant 5.000000e-01 : f32
      %mul3A_150 = vector.broadcast %mul3A_149 : f32 to vector<16xf32>
      %mul3A_151 = arith.mulf %mul3A_150, %add3A_126 : vector<16xf32>
      %mul3A_152 = arith.mulf %mul3A_151, %mul3A_148 : vector<16xf32>
      %mul3A_153 = arith.mulf %mul3A_152, %mul3A_148 : vector<16xf32>
      %sub3A_154 = arith.constant 1.500000e+00 : f32
      %sub3A_155 = vector.broadcast %sub3A_154 : f32 to vector<16xf32>
      %sub3A_156 = arith.subf %sub3A_155, %mul3A_153 : vector<16xf32>
      %mul3A_157 = arith.mulf %mul3A_148, %sub3A_156 : vector<16xf32>
      %mul3A_158 = arith.constant 5.000000e-01 : f32
      %mul3A_159 = vector.broadcast %mul3A_158 : f32 to vector<16xf32>
      %mul3A_160 = arith.mulf %mul3A_159, %add3A_126 : vector<16xf32>
      %mul3A_161 = arith.mulf %mul3A_160, %mul3A_157 : vector<16xf32>
      %mul3A_162 = arith.mulf %mul3A_161, %mul3A_157 : vector<16xf32>
      %sub3A_163 = arith.constant 1.500000e+00 : f32
      %sub3A_164 = vector.broadcast %sub3A_163 : f32 to vector<16xf32>
      %sub3A_165 = arith.subf %sub3A_164, %mul3A_162 : vector<16xf32>
      %mul3A_166 = arith.mulf %mul3A_157, %sub3A_165 : vector<16xf32>
      %mul3A_167 = arith.mulf %add3A_126, %mul3A_166 : vector<16xf32>
      %bitcast3A_168 = vector.bitcast %add3A_131 : vector<16xf32> to vector<16xi32>
      %shift_right_logical3A_169 = arith.constant 1 : i32
      %shift_right_logical3A_170 = vector.broadcast %shift_right_logical3A_169 : i32 to vector<16xi32>
      %shift_right_logical3A_171 = arith.shrui %bitcast3A_168, %shift_right_logical3A_170 : vector<16xi32>
      %sub3A_172 = arith.constant 1597463007 : i32
      %sub3A_173 = vector.broadcast %sub3A_172 : i32 to vector<16xi32>
      %sub3A_174 = arith.subi %sub3A_173, %shift_right_logical3A_171 : vector<16xi32>
      %bitcast3A_175 = vector.bitcast %sub3A_174 : vector<16xi32> to vector<16xf32>
      %mul3A_176 = arith.constant 5.000000e-01 : f32
      %mul3A_177 = vector.broadcast %mul3A_176 : f32 to vector<16xf32>
      %mul3A_178 = arith.mulf %mul3A_177, %add3A_131 : vector<16xf32>
      %mul3A_179 = arith.mulf %mul3A_178, %bitcast3A_175 : vector<16xf32>
      %mul3A_180 = arith.mulf %mul3A_179, %bitcast3A_175 : vector<16xf32>
      %sub3A_181 = arith.constant 1.500000e+00 : f32
      %sub3A_182 = vector.broadcast %sub3A_181 : f32 to vector<16xf32>
      %sub3A_183 = arith.subf %sub3A_182, %mul3A_180 : vector<16xf32>
      %mul3A_184 = arith.mulf %bitcast3A_175, %sub3A_183 : vector<16xf32>
      %mul3A_185 = arith.constant 5.000000e-01 : f32
      %mul3A_186 = vector.broadcast %mul3A_185 : f32 to vector<16xf32>
      %mul3A_187 = arith.mulf %mul3A_186, %add3A_131 : vector<16xf32>
      %mul3A_188 = arith.mulf %mul3A_187, %mul3A_184 : vector<16xf32>
      %mul3A_189 = arith.mulf %mul3A_188, %mul3A_184 : vector<16xf32>
      %sub3A_190 = arith.constant 1.500000e+00 : f32
      %sub3A_191 = vector.broadcast %sub3A_190 : f32 to vector<16xf32>
      %sub3A_192 = arith.subf %sub3A_191, %mul3A_189 : vector<16xf32>
      %mul3A_193 = arith.mulf %mul3A_184, %sub3A_192 : vector<16xf32>
      %mul3A_194 = arith.constant 5.000000e-01 : f32
      %mul3A_195 = vector.broadcast %mul3A_194 : f32 to vector<16xf32>
      %mul3A_196 = arith.mulf %mul3A_195, %add3A_131 : vector<16xf32>
      %mul3A_197 = arith.mulf %mul3A_196, %mul3A_193 : vector<16xf32>
      %mul3A_198 = arith.mulf %mul3A_197, %mul3A_193 : vector<16xf32>
      %sub3A_199 = arith.constant 1.500000e+00 : f32
      %sub3A_200 = vector.broadcast %sub3A_199 : f32 to vector<16xf32>
      %sub3A_201 = arith.subf %sub3A_200, %mul3A_198 : vector<16xf32>
      %mul3A_202 = arith.mulf %mul3A_193, %sub3A_201 : vector<16xf32>
      %mul3A_203 = arith.mulf %add3A_131, %mul3A_202 : vector<16xf32>
      %mul3A_204 = arith.mulf %gather3A_38, %gather3A_47 : vector<16xf32>
      %mul3A_205 = arith.mulf %gather3A_42, %gather3A_51 : vector<16xf32>
      %add3A_206 = arith.addf %mul3A_204, %mul3A_205 : vector<16xf32>
      %mul3A_207 = arith.mulf %gather3A_46, %gather3A_55 : vector<16xf32>
      %add3A_208 = arith.addf %add3A_206, %mul3A_207 : vector<16xf32>
      %add3A_209 = arith.constant 9.99999971E-10 : f32
      %add3A_210 = vector.broadcast %add3A_209 : f32 to vector<16xf32>
      %add3A_211 = arith.addf %mul3A_167, %add3A_210 : vector<16xf32>
      %add3A_212 = arith.constant 9.99999971E-10 : f32
      %add3A_213 = vector.broadcast %add3A_212 : f32 to vector<16xf32>
      %add3A_214 = arith.addf %mul3A_203, %add3A_213 : vector<16xf32>
      %mul3A_215 = arith.mulf %add3A_211, %add3A_214 : vector<16xf32>
      %div3A = arith.divf %add3A_208, %mul3A_215 : vector<16xf32>
      %sub3A_216 = arith.constant -1.010000e+00 : f32
      %sub3A_217 = vector.broadcast %sub3A_216 : f32 to vector<16xf32>
      %sub3A_218 = arith.subf %div3A, %sub3A_217 : vector<16xf32>
      %mul3A_219 = arith.constant 0.247524753 : f32
      %mul3A_220 = vector.broadcast %mul3A_219 : f32 to vector<16xf32>
      %mul3A_221 = arith.mulf %sub3A_218, %mul3A_220 : vector<16xf32>
      %swap3A = arith.index_cast %mul3A_9 : i32 to index
      %swap3A_222 = tpu.vector_load %arg12[%swap3A] {strides = array<i32>} : memref<10000xf32, #tpu.memory_space<vmem>>, vector<16xf32>,
      tpu.vector_store %arg12[%swap3A], %mul3A_221 {strides = array<i32>} : memref<10000xf32, #tpu.memory_space<vmem>>, vector<16xf32>,
      %mul3A_223 = arith.mulf %add3A_126, %add3A_131 : vector<16xf32>
      %mul3A_224 = arith.mulf %mul3A_223, %select_n3A : vector<16xf32>
      %swap3A_225 = arith.index_cast %mul3A_9 : i32 to index
      %swap3A_226 = tpu.vector_load %arg13[%swap3A_225] {strides = array<i32>} : memref<10000xf32, #tpu.memory_space<vmem>>, vector<16xf32>,
      tpu.vector_store %arg13[%swap3A_225], %mul3A_224 {strides = array<i32>} : memref<10000xf32, #tpu.memory_space<vmem>>, vector<16xf32>,
    }
    %scan3A_6 = arith.constant 625 : i32
    "tpu.region"() ({
      %run_scoped3A = tpu.sem_alloc : memref<!tpu.dma_semaphore, #tpu.memory_space<semaphore_mem>>
      %dma_start3A = tpu.memref_slice %arg6[%mul3A_2] : memref<320000xf32, #tpu.memory_space<hbm>> -> memref<10000xf32, #tpu.memory_space<hbm>>
      %dma_start3A_7 = tpu.memref_slice %arg6[%mul3A_2] : memref<320000xf32, #tpu.memory_space<hbm>> -> memref<10000xf32, #tpu.memory_space<hbm>>
      tpu.enqueue_dma source(%arg12 : memref<10000xf32, #tpu.memory_space<vmem>>) target(%dma_start3A_7 : memref<10000xf32, #tpu.memory_space<hbm>>) target_semaphore(%run_scoped3A : memref<!tpu.dma_semaphore, #tpu.memory_space<semaphore_mem>>)
      %dma_wait3A = tpu.memref_slice %arg6[%mul3A_2] : memref<320000xf32, #tpu.memory_space<hbm>> -> memref<10000xf32, #tpu.memory_space<hbm>>
      %dma_wait3A_8 = tpu.memref_slice %arg6[%mul3A_2] : memref<320000xf32, #tpu.memory_space<hbm>> -> memref<10000xf32, #tpu.memory_space<hbm>>
      tpu.wait_dma2 semaphore(%run_scoped3A : memref<!tpu.dma_semaphore, #tpu.memory_space<semaphore_mem>>) src(%arg12 : memref<10000xf32, #tpu.memory_space<vmem>>) dst(%dma_wait3A_8 : memref<10000xf32, #tpu.memory_space<hbm>>)
      tpu.yield
    }) : () -> ()
    "tpu.region"() ({
      %run_scoped3A = tpu.sem_alloc : memref<!tpu.dma_semaphore, #tpu.memory_space<semaphore_mem>>
      %dma_start3A = tpu.memref_slice %arg7[%mul3A_2] : memref<320000xf32, #tpu.memory_space<hbm>> -> memref<10000xf32, #tpu.memory_space<hbm>>
      %dma_start3A_7 = tpu.memref_slice %arg7[%mul3A_2] : memref<320000xf32, #tpu.memory_space<hbm>> -> memref<10000xf32, #tpu.memory_space<hbm>>
      tpu.enqueue_dma source(%arg13 : memref<10000xf32, #tpu.memory_space<vmem>>) target(%dma_start3A_7 : memref<10000xf32, #tpu.memory_space<hbm>>) target_semaphore(%run_scoped3A : memref<!tpu.dma_semaphore, #tpu.memory_space<semaphore_mem>>)
      %dma_wait3A = tpu.memref_slice %arg7[%mul3A_2] : memref<320000xf32, #tpu.memory_space<hbm>> -> memref<10000xf32, #tpu.memory_space<hbm>>
      %dma_wait3A_8 = tpu.memref_slice %arg7[%mul3A_2] : memref<320000xf32, #tpu.memory_space<hbm>> -> memref<10000xf32, #tpu.memory_space<hbm>>
      tpu.wait_dma2 semaphore(%run_scoped3A : memref<!tpu.dma_semaphore, #tpu.memory_space<semaphore_mem>>) src(%arg13 : memref<10000xf32, #tpu.memory_space<vmem>>) dst(%dma_wait3A_8 : memref<10000xf32, #tpu.memory_space<hbm>>)
      tpu.yield
    }) : () -> ()
    return
  }
}

module attributes {stable_mosaic.version = 14 : i64} {
  func.func @_tc_copy_body(%arg0: i32, %arg1: memref<8000x128xf32, #tpu.memory_space<vmem>>, %arg2: memref<8000x128xf32, #tpu.memory_space<vmem>>) attributes {dimension_semantics = [#tpu.dimension_semantics<arbitrary>], iteration_bounds = array<i64: 40>, scalar_prefetch = 0 : i64, scratch_operands = 0 : i64, tpu.core_type = #tpu.core_type<tc>, window_params = [{transform_indices = @transform_0, window_bounds = array<i64: 8000, 128>}, {transform_indices = @transform_1, window_bounds = array<i64: 8000, 128>}]} {
    %get3A = arith.constant 0 : index
    %get3A_0 = arith.constant 0 : index
    %get3A_1 = vector.load %arg1[%get3A, %get3A_0] : memref<8000x128xf32, #tpu.memory_space<vmem>>, vector<8000x128xf32>
    %swap3A = arith.constant 0 : index
    %swap3A_2 = arith.constant 0 : index
    %swap3A_3 = vector.load %arg2[%swap3A, %swap3A_2] : memref<8000x128xf32, #tpu.memory_space<vmem>>, vector<8000x128xf32>
    tpu.vector_store %arg2[%swap3A, %swap3A_2], %get3A_1 {strides = array<i32>} : memref<8000x128xf32, #tpu.memory_space<vmem>>, vector<8000x128xf32>,
    return
  }
  func.func @transform_0(%arg0: i32) -> (i32, i32) {
    %c0_i32 = arith.constant 0 : i32
    %c0_i32_0 = arith.constant 0 : i32
    return %arg0, %c0_i32 : i32, i32
  }
  func.func @transform_1(%arg0: i32) -> (i32, i32) {
    %c0_i32 = arith.constant 0 : i32
    %c0_i32_0 = arith.constant 0 : i32
    return %arg0, %c0_i32 : i32, i32
  }
}

module attributes {stable_mosaic.version = 14 : i64} {
  func.func @_tc_cos_body(%arg0: i32, %arg1: memref<320000x256xf32, #tpu.memory_space<hbm>>, %arg2: memref<1x2x8000xf32, #tpu.memory_space<vmem>>, %arg3: memref<8000x128xf32, #tpu.memory_space<vmem>>) attributes {dimension_semantics = [#tpu.dimension_semantics<arbitrary>], iteration_bounds = array<i64: 40>, scalar_prefetch = 0 : i64, scratch_operands = 0 : i64, tpu.core_type = #tpu.core_type<tc>, window_params = [{}, {transform_indices = @transform_1, window_bounds = array<i64: 1, 2, 8000>}, {transform_indices = @transform_2, window_bounds = array<i64: 8000, 128>}]} {
    %get3A = arith.constant 0 : index
    %get3A_0 = arith.constant 0 : index
    %get3A_1 = arith.constant 0 : index
    %get3A_2 = vector.load %arg2[%get3A, %get3A_0, %get3A_1] : memref<1x2x8000xf32, #tpu.memory_space<vmem>>, vector<1x2x8000xf32>
    %get3A_3 = vector.shape_cast %get3A_2 : vector<1x2x8000xf32> to vector<2x8000xf32>
    %convert_element_type3A = arith.truncf %get3A_3 : vector<2x8000xf32> to vector<2x8000xbf16>
    %convert_element_type3A_4 = arith.extf %convert_element_type3A : vector<2x8000xbf16> to vector<2x8000xf32>
    %sub3A = arith.subf %get3A_3, %convert_element_type3A_4 : vector<2x8000xf32>
    %convert_element_type3A_5 = arith.truncf %sub3A : vector<2x8000xf32> to vector<2x8000xbf16>
    %convert_element_type3A_6 = arith.extf %convert_element_type3A_5 : vector<2x8000xbf16> to vector<2x8000xf32>
    %sub3A_7 = arith.subf %sub3A, %convert_element_type3A_6 : vector<2x8000xf32>
    %convert_element_type3A_8 = arith.truncf %sub3A_7 : vector<2x8000xf32> to vector<2x8000xbf16>
    %concatenate3A = tpu.concatenate %convert_element_type3A, %convert_element_type3A_5, %convert_element_type3A_8 in 0 : vector<2x8000xbf16>, vector<2x8000xbf16>, vector<2x8000xbf16> -> vector<6x8000xbf16>
    %iota3A = tpu.iota {dimensions = array<i32: 1>} : vector<6x256xi32>
    %iota3A_9 = tpu.iota {dimensions = array<i32: 0>} : vector<6x256xi32>
    %ge3A = arith.constant 128 : i32
    %ge3A_10 = vector.broadcast %ge3A : i32 to vector<6x256xi32>
    %ge3A_11 = arith.cmpi sge, %iota3A, %ge3A_10 : vector<6x256xi32>
    %jit3A = arith.constant 2 : i32
    %eq3A = arith.constant 0 : i32
    %eq3A_12 = arith.cmpi eq, %jit3A, %eq3A : i32
    %jit3A_13 = arith.constant 1 : i32
    %select_n3A = arith.select %eq3A_12, %jit3A_13, %jit3A : i32
    %rem3A = vector.broadcast %select_n3A : i32 to vector<6x256xi32>
    %rem3A_14 = arith.remsi %iota3A_9, %rem3A : vector<6x256xi32>
    %ne3A = arith.constant 0 : i32
    %ne3A_15 = vector.broadcast %ne3A : i32 to vector<6x256xi32>
    %ne3A_16 = arith.cmpi ne, %rem3A_14, %ne3A_15 : vector<6x256xi32>
    %lt3A = arith.constant 0 : i32
    %lt3A_17 = vector.broadcast %lt3A : i32 to vector<6x256xi32>
    %lt3A_18 = arith.cmpi slt, %rem3A_14, %lt3A_17 : vector<6x256xi32>
    %lt3A_19 = arith.constant 0 : i32
    %lt3A_20 = arith.cmpi slt, %select_n3A, %lt3A_19 : i32
    %ne3A_21 = vector.broadcast %lt3A_20 : i1 to vector<6x256xi1>
    %ne3A_22 = vector.broadcast %ne3A_21 : vector<6x256xi1> to vector<6x256xi1>
    %ne3A_23 = arith.xori %lt3A_18, %ne3A_22 : vector<6x256xi1>
    %and3A = arith.andi %ne3A_23, %ne3A_16 : vector<6x256xi1>
    %add3A = vector.broadcast %select_n3A : i32 to vector<6x256xi32>
    %add3A_24 = arith.addi %rem3A_14, %add3A : vector<6x256xi32>
    %select_n3A_25 = arith.select %and3A, %add3A_24, %rem3A_14 : vector<6x256xi1>, vector<6x256xi32>
    %eq3A_26 = arith.constant 0 : i32
    %eq3A_27 = vector.broadcast %eq3A_26 : i32 to vector<6x256xi32>
    %eq3A_28 = arith.cmpi eq, %select_n3A_25, %eq3A_27 : vector<6x256xi32>
    %convert_element_type3A_29 = arith.sitofp %iota3A : vector<6x256xi32> to vector<6x256xf32>
    %jit3A_30 = arith.constant 0.000000e+00 : f32
    %broadcast_in_dim3A = vector.broadcast %jit3A_30 : f32 to vector<6x256xf32>
    %select_n3A_31 = arith.select %ge3A_11, %broadcast_in_dim3A, %convert_element_type3A_29 : vector<6x256xi1>, vector<6x256xf32>
    %jit3A_32 = arith.constant 1.000000e+00 : f32
    %jit3A_33 = arith.constant 0.000000e+00 : f32
    %broadcast_in_dim3A_34 = vector.broadcast %jit3A_32 : f32 to vector<6x256xf32>
    %broadcast_in_dim3A_35 = vector.broadcast %jit3A_33 : f32 to vector<6x256xf32>
    %select_n3A_36 = arith.select %ge3A_11, %broadcast_in_dim3A_34, %broadcast_in_dim3A_35 : vector<6x256xi1>, vector<6x256xf32>
    %select_n3A_37 = arith.select %eq3A_28, %select_n3A_31, %select_n3A_36 : vector<6x256xi1>, vector<6x256xf32>
    %convert_element_type3A_38 = arith.truncf %select_n3A_37 : vector<6x256xf32> to vector<6x256xbf16>
    %dot_general3A = arith.constant dense<0.000000e+00> : vector<8000x256xf32>
    %dot_general3A_39 = tpu.matmul %concatenate3A, %convert_element_type3A_38, %dot_general3A {dimension_numbers = #tpu.dot_dimension_numbers<[0], [0], [1], [1], [0, 1, 1, 1], [], []>, transpose_lhs_hint = false} : vector<6x8000xbf16>, vector<6x256xbf16>, vector<8000x256xf32> -> vector<8000x256xf32>
    %slice3A = vector.extract_strided_slice %dot_general3A_39 {offsets = [0, 0], sizes = [8000, 128], strides = [1, 1]} : vector<8000x256xf32> to vector<8000x128xf32>
    %slice3A_40 = vector.extract_strided_slice %dot_general3A_39 {offsets = [0, 128], sizes = [8000, 128], strides = [1, 1]} : vector<8000x256xf32> to vector<8000x128xf32>
    %add3A_41 = arith.constant 0x4B400000 : f32
    %add3A_42 = vector.broadcast %add3A_41 : f32 to vector<8000x128xf32>
    %add3A_43 = arith.addf %slice3A, %add3A_42 : vector<8000x128xf32>
    %sub3A_44 = arith.constant 0x4B400000 : f32
    %sub3A_45 = vector.broadcast %sub3A_44 : f32 to vector<8000x128xf32>
    %sub3A_46 = arith.subf %add3A_43, %sub3A_45 : vector<8000x128xf32>
    %sub3A_47 = arith.subf %slice3A, %sub3A_46 : vector<8000x128xf32>
    %mul3A = arith.mulf %sub3A_47, %sub3A_47 : vector<8000x128xf32>
    %mul3A_48 = arith.constant 6.52865839 : f32
    %mul3A_49 = vector.broadcast %mul3A_48 : f32 to vector<8000x128xf32>
    %mul3A_50 = arith.mulf %mul3A_49, %mul3A : vector<8000x128xf32>
    %add3A_51 = arith.constant -2.596760e+01 : f32
    %add3A_52 = vector.broadcast %add3A_51 : f32 to vector<8000x128xf32>
    %add3A_53 = arith.addf %mul3A_50, %add3A_52 : vector<8000x128xf32>
    %mul3A_54 = arith.mulf %add3A_53, %mul3A : vector<8000x128xf32>
    %add3A_55 = arith.constant 60.1676331 : f32
    %add3A_56 = vector.broadcast %add3A_55 : f32 to vector<8000x128xf32>
    %add3A_57 = arith.addf %mul3A_54, %add3A_56 : vector<8000x128xf32>
    %mul3A_58 = arith.mulf %add3A_57, %mul3A : vector<8000x128xf32>
    %add3A_59 = arith.constant -85.4501419 : f32
    %add3A_60 = vector.broadcast %add3A_59 : f32 to vector<8000x128xf32>
    %add3A_61 = arith.addf %mul3A_58, %add3A_60 : vector<8000x128xf32>
    %mul3A_62 = arith.mulf %add3A_61, %mul3A : vector<8000x128xf32>
    %add3A_63 = arith.constant 64.9391174 : f32
    %add3A_64 = vector.broadcast %add3A_63 : f32 to vector<8000x128xf32>
    %add3A_65 = arith.addf %mul3A_62, %add3A_64 : vector<8000x128xf32>
    %mul3A_66 = arith.mulf %add3A_65, %mul3A : vector<8000x128xf32>
    %add3A_67 = arith.constant -19.7392044 : f32
    %add3A_68 = vector.broadcast %add3A_67 : f32 to vector<8000x128xf32>
    %add3A_69 = arith.addf %mul3A_66, %add3A_68 : vector<8000x128xf32>
    %mul3A_70 = arith.mulf %add3A_69, %mul3A : vector<8000x128xf32>
    %add3A_71 = arith.constant 1.000000e+00 : f32
    %add3A_72 = vector.broadcast %add3A_71 : f32 to vector<8000x128xf32>
    %add3A_73 = arith.addf %mul3A_70, %add3A_72 : vector<8000x128xf32>
    %mul3A_74 = arith.mulf %add3A_73, %slice3A_40 : vector<8000x128xf32>
    %swap3A = arith.constant 0 : index
    %swap3A_75 = arith.constant 0 : index
    %swap3A_76 = vector.load %arg3[%swap3A, %swap3A_75] : memref<8000x128xf32, #tpu.memory_space<vmem>>, vector<8000x128xf32>
    tpu.vector_store %arg3[%swap3A, %swap3A_75], %mul3A_74 {strides = array<i32>} : memref<8000x128xf32, #tpu.memory_space<vmem>>, vector<8000x128xf32>,
    return
  }
  func.func @transform_1(%arg0: i32) -> (i32, i32, i32) {
    %c0_i32 = arith.constant 0 : i32
    %c0_i32_0 = arith.constant 0 : i32
    %c0_i32_1 = arith.constant 0 : i32
    return %arg0, %c0_i32, %c0_i32_0 : i32, i32, i32
  }
  func.func @transform_2(%arg0: i32) -> (i32, i32) {
    %c1_i32 = arith.constant 1 : i32
    %c0_i32 = arith.constant 0 : i32
    return %arg0, %c1_i32 : i32, i32
  }
}

</mosaic_0001>

<sc_bundles>
// kernel: kernel.5.cloned.1.call-start
scs
__scs_entry_jumppad:
0x0: {  	(pc) =	sbr.rel $0x88, $3  }
0x1: {  	(tag) =	ssettag $0x0;
	lr =	simm.s32 $0x1  }
0x2: {  	[smem:$0x3F9D] =	sst lr;
	_ =	strace $0xD0000000  }
0x3: {  	_ = 	snop  }
0x4: {  	_ = 	snop  }
0x5: {  	_ = 	snop  }
0x6: {  	_ = 	snop  }
0x7: {  	_ = 	snop  }
__scs_overlays_trampoline_lowered:
0x8: {  	[smem:$0x3FAC] =	sst s0  }
0x9: {  	[smem:$0x3FAD] =	sst s1  }
0xa: {  	[smem:$0x3FAE] =	sst s2  }
0xb: {  	[smem:$0x3FAF] =	sst s3  }
0xc: {  	[smem:$0x3FB0] =	sst s4  }
0xd: {  	[smem:$0x3FB1] =	sst s5  }
0xe: {  	[smem:$0x3FB2] =	sst s6  }
0xf: {  	[smem:$0x3FB3] =	sst s7  }
0x10: {  	[smem:$0x3FB4] =	sst s8  }
0x11: {  	[smem:$0x3FB5] =	sst s9;
	s0 =	simm.s32 @!p0 $0x0  }
0x12: {  	s1 =	sld [smem:$0x3F9B];
	s0 =	simm.s32 @p0 $0x1  }
0x13: {  	[smem:$0x3FB6] =	sst s0;
	s0 =	simm.s32 @!p1 $0x0  }
0x14: {  	s2 =	sld [smem:$0x3F9A];
	s0 =	simm.s32 @p1 $0x1  }
0x15: {  	[smem:$0x3FB7] =	sst s0;
	s0 =	simm.s32 @!p2 $0x0  }
0x16: {  	s3 =	sld [smem:$0x3FDB];
	s0 =	simm.s32 @p2 $0x1  }
0x17: {  	s4 =	simm.s32 $0x1BF5;
	[smem:$0x3FB9] =	sst s0  }
0x18: {  	s0 =	sld [smem:$0x3F9C];
	_ =	swait.ge [sflag:s4], $0x0  }
0x19: {  	s7 =	sld [smem:$0x3F9D]  }
0x1a: {  	s8 =	sadd.s32 $0xFFFFE003, lr  }
0x1b: {  	s9 =	sadd.s32 $0xFFFFFEF7, lr;
	s5 =	simm.s32 $0xFFFFFFFF;
	p2 =	slt.u32 s8, $0xFFFFF086  }
0x1c: {  	p1 =	slt.u32 s9, $0xF7A;
	s5 =	simm.s32 @!p2 $0x0  }
0x1d: {  	s5 =	simm.s32 @p1 $0x1;
	p0 =	seq.s32 s7, s2  }
0x1e: {  	s7 =	smul.u32 @!p0 $0xF7A, s2;
	p2 =	seq.s32 @!p0 s5, $0x0  }
0x1f: {  	s9 =	smul.u32 $0xF7A, s1;
	s8 =	simm.s32 @!p0 $0x1BF5;
	p2 =	por !p2, p0  }
0x20: {  	[sflag:s8] =	ssyncset.s32 @!p0 $0xFFFFF086;
	s6 =	sadd.s32 @!p0 s3, s7;
	s7 =	simm.s32 @!p0 $0x108  }
0x21: {  	s3 =	sadd.s32 s3, s9;
	s6 =	sadd.s32 @!p0 $0x88, s6;
	s7 =	simm.s32 @p2 $0x1082  }
0x22: {  	[simem:s7], [sflag:s8] =	dma.local @!p0 [hbm:s6], $0xF7A  }
0x23: {  	s9 =	sor.u32 $0xD0000000, s2;
	s6 =	simm.s32 $0x108;
	_ =	swait.ge @!p0 [sflag:s8], $0x0  }
0x24: {  	s3 =	sadd.s32 $0x88, s3;
	s6 =	simm.s32 @!p1 $0x1082;
	[sflag:s4] =	ssyncset.s32 $0xFFFFF086  }
0x25: {  	[simem:s6], [sflag:s4] =	dma.local [hbm:s3], $0xF7A  }
0x26: {  	[smem:$0x3F9D] =	sst s1;
	(tag) =	ssettag s2;
	_ =	strace s9  }
0x27: {  	s1 =	sld [smem:$0x3FAD]  }
0x28: {  	s2 =	sld [smem:$0x3FAE]  }
0x29: {  	s4 =	sld [smem:$0x3FB0]  }
0x2a: {  	p0 =	seq.s32 s5, $0x0;
	s5 =	sld [smem:$0x3FB1]  }
0x2b: {  	s6 =	sld [smem:$0x3FB2]  }
0x2c: {  	s7 =	sld [smem:$0x3FB3]  }
0x2d: {  	s3 =	simm.s32 $0x108;
	s8 =	sld [smem:$0x3FB4]  }
0x2e: {  	s3 =	simm.s32 @!p0 $0x1082;
	s9 =	sld [smem:$0x3FB5]  }
0x2f: {  	lr =	sadd.s32 s0, s3;
	s0 =	sld [smem:$0x3FAC]  }
0x30: {  	s3 =	sld [smem:$0x3FAF]  }
0x31: {  	[smem:$0x3FB8] =	sst s10  }
0x32: {  	s10 =	sld [smem:$0x3FB6];
	_ =	sdelay $0x3  }
0x33: {  	p0 =	seq.s32 s10, $0x1;
	s10 =	sld [smem:$0x3FB8];
	_ =	sdelay $0x3  }
0x34: {  	[smem:$0x3FB8] =	sst s10  }
0x35: {  	s10 =	sld [smem:$0x3FB7];
	_ =	sdelay $0x3  }
0x36: {  	p1 =	seq.s32 s10, $0x1;
	s10 =	sld [smem:$0x3FB8];
	_ =	sdelay $0x3  }
0x37: {  	[smem:$0x3FB8] =	sst s10  }
0x38: {  	s10 =	sld [smem:$0x3FB9]  }
0x39: {  	_ = 	snop;
	(pc) =	sbr.ind lr, $3  }
0x3a: {  	_ = 	snop  }
0x3b: {  	_ = 	snop  }
0x3c: {  	p2 =	seq.s32 s10, $0x1;
	s10 =	sld [smem:$0x3FB8]  }
0x3d: {  	_ =	shalt  }
0x3e: {  	_ =	shalt  }
0x3f: {  	_ =	shalt  }
0x40: {  	_ =	shalt  }
0x41: {  	_ =	shalt  }
0x42: {  	_ =	shalt  }
0x43: {  	_ =	shalt  }
0x44: {  	_ =	shalt  }
0x45: {  	_ =	shalt  }
0x46: {  	_ =	shalt  }
0x47: {  	_ =	shalt  }
0x48: {  	_ =	shalt  }
0x49: {  	_ =	shalt  }
0x4a: {  	_ =	shalt  }
0x4b: {  	_ =	shalt  }
0x4c: {  	_ =	shalt  }
0x4d: {  	_ =	shalt  }
0x4e: {  	_ =	shalt  }
0x4f: {  	_ =	shalt  }
0x50: {  	_ =	shalt  }
0x51: {  	_ =	shalt  }
0x52: {  	_ =	shalt  }
0x53: {  	_ =	shalt  }
0x54: {  	_ =	shalt  }
0x55: {  	_ =	shalt  }
0x56: {  	_ =	shalt  }
0x57: {  	_ =	shalt  }
0x58: {  	_ =	shalt  }
0x59: {  	_ =	shalt  }
0x5a: {  	_ =	shalt  }
0x5b: {  	_ =	shalt  }
0x5c: {  	_ =	shalt  }
0x5d: {  	_ =	shalt  }
0x5e: {  	_ =	shalt  }
0x5f: {  	_ =	shalt  }
0x60: {  	_ =	shalt  }
0x61: {  	_ =	shalt  }
0x62: {  	_ =	shalt  }
0x63: {  	_ =	shalt  }
0x64: {  	_ =	shalt  }
0x65: {  	_ =	shalt  }
0x66: {  	_ =	shalt  }
0x67: {  	_ =	shalt  }
0x68: {  	_ =	shalt  }
0x69: {  	_ =	shalt  }
0x6a: {  	_ =	shalt  }
0x6b: {  	_ =	shalt  }
0x6c: {  	_ =	shalt  }
0x6d: {  	_ =	shalt  }
0x6e: {  	_ =	shalt  }
0x6f: {  	_ =	shalt  }
0x70: {  	_ =	shalt  }
0x71: {  	_ =	shalt  }
0x72: {  	_ =	shalt  }
0x73: {  	_ =	shalt  }
0x74: {  	_ =	shalt  }
0x75: {  	_ =	shalt  }
0x76: {  	_ =	shalt  }
0x77: {  	_ =	shalt  }
0x78: {  	_ =	shalt  }
0x79: {  	_ =	shalt  }
0x7a: {  	_ =	shalt  }
0x7b: {  	_ =	shalt  }
0x7c: {  	_ =	shalt  }
0x7d: {  	_ =	shalt  }
0x7e: {  	_ =	shalt  }
0x7f: {  	_ =	shalt  }
0x80: {  	_ =	shalt  }
0x81: {  	_ =	shalt  }
0x82: {  	_ =	shalt  }
0x83: {  	_ =	shalt  }
0x84: {  	_ =	shalt  }
0x85: {  	_ =	shalt  }
0x86: {  	_ =	shalt  }
0x87: {  	_ =	shalt  }
.Lfunc_end0:
.L_simem_size_0:
called_computation_lowered:
.L_overlay_start_0:
0x88: {  	s2 =	sld [smem:$0x3FD9]  }
0x89: {  	s3 =	sld [smem:$0x3FFE];
	_ =	sdelay $0x1  }
0x8a: {  	s1 =	srdreg.scid  }
0x8b: {  	s0 =	sand.u32 $0x1, s1  }
0x8c: {  	s16 =	sshll.u32 s0, $0xA;
	s2 =	sadd.s32 s3, s2  }
0x8d: {  	s2 =	sadd.s32 s2, s16  }
0x8e: {  	[smem:$0x3FC4] =	sst s2  }
0x8f: {  	_ = 	snop  }
0x90: {  	(tm) =	ssettm $0x1  }
0x91: {  	s17 =	sld [smem:$0x3FFB];
	_ =	sdelay $0x3  }
0x92: {  	_ =	strace s17  }
0x93: {  	s2 =	sld [smem:$0x3FFC];
	_ =	sdelay $0x3  }
0x94: {  	_ =	strace s2  }
0x95: {  	s2 =	sld [smem:$0x3FFD];
	_ =	sdelay $0x3  }
0x96: {  	_ =	strace s2  }
0x97: {  	_ =	strace $0x8FFFFFFF  }
0x98: {  	s18 =	sld [smem:$0x3FDB];
	_ =	sdelay $0x1  }
0x99: {  	s19 =	simm.s32 $_scs_section_size  }
0x9a: {  	s4 =	simm.s32 $_size__tile_overlayer_lowered;
	s5 =	simm.s32 $_tile_overlayer_lowered  }
0x9b: {  	s22 =	simm.s32 $0x1BFF;
	s21 =	sshll.u32 s5, $0x1;
	s2 =	sadd.s32 s19, s18  }
0x9c: {  	s6 =	simm.s32 $0x0;
	s20 =	sshll.u32 s4, $0x1;
	s4 =	sadd.s32 s21, s2  }
0x9d: {  	[timem:s6], [sflag:s22] =	dma.local [hbm:s4], s20  }
0x9e: {  	_ =	swait.ge [sflag:s22], s20  }
0x9f: {  	s3 =	ssub.s32 $0x0, s20;
	[sflag:s22] =	ssyncset.done $0x0  }
0xa0: {  	[sflag:s22] =	ssyncadd.s32 s3;
	_ =	sdelay $0x1  }
0xa1: {  	s23 =	simm.s32 $0x1B8B  }
0xa2: {  	_ =	swait.ge [sflag:s23], $0x1  }
0xa3: {  	[sflag:s23] =	ssyncset.done $0x0  }
0xa4: {  	s25 =	simm.s32 $0x1B8E;
	s24 =	sld [smem:$0x3FFE];
	[sflag:s23] =	ssyncadd.s32 $0xFFFFFFFF  }
0xa5: {  	s26 =	simm.s32 $execute0_lowered;
	[smem:$0x3FD2] =	sst s25  }
0xa6: {  	s4 =	sshll.u32 s26, $0x1;
	_ =	strace $0x80000046;
	[dreg:$0x1] =	wrdreg $0xFFFFFFFF  }
0xa7: {  	s28 =	simm.s32 $_size_execute0_lowered;
	s2 =	sadd.s32 s2, s4;
	[dreg:$0x0] =	wrdreg $0x0  }
0xa8: {  	s4 =	sshll.u32 s28, $0x1;
	[dreg:$0x2] =	wrdreg s2  }
0xa9: {  	[dreg:$0x3] =	wrdreg s4  }
0xaa: {  	[dreg:$0x4] =	wrdreg $0xC0  }
0xab: {  	_ =	task [dreg:s6], $0x5FFFF  }
0xac: {  	[dreg:$0x1] =	wrdreg $0xFFFFFFFF  }
0xad: {  	[dreg:$0x0] =	wrdreg $0x60  }
0xae: {  	[dreg:$0x2] =	wrdreg s24  }
0xaf: {  	[dreg:$0x3] =	wrdreg $0x9  }
0xb0: {  	_ =	task.clear_ibuf [dreg:s6], $0x4FFFF;
	_ =	strace $0x90000046  }
0xb1: {  	s29 =	simm.s32 $0x9;
	_ =	strace $0x80000048  }
0xb2: {  	_ =	swait.ge [sflag:s29], $0x1  }
0xb3: {  	[sflag:s29] =	ssyncadd.s32 $0xFFFFFFFF  }
0xb4: {  	_ =	strace $0x90000048  }
0xb5: {  	_ =	sfence  }
0xb6: {  	s30 =	sld [smem:$0x0];
	_ =	sdelay $0x2  }
0xb7: {  	s31 =	sshll.u32 s1, $0xD;
	s1 =	sshrl.u32 s1, $0x2  }
0xb8: {  	s3 =	sand.u32 $0x4000, s31;
	s1 =	sadd.s32 s1, s30  }
0xb9: {  	s0 =	sor.u32 s3, s0;
	s1 =	sshll.u32 s1, $0x11  }
0xba: {  	s0 =	sor.u32 s1, s0  }
0xbb: {  	s0 =	sadd.s32 $0x8F2B, s0  }
0xbc: {  	[sflag:s0] =	ssyncadd.remote.s32 $0x1  }
0xbd: {  	_ =	sfence.sel $0xFFFF  }
0xbe: {  	[dreg:$0x0] =	wrdreg $0xFFFFFFFF;
	(pc) =	sbr.abs _section_cstart, $3  }
0xbf: {  	[dreg:$0x1] =	wrdreg $0xFFFFFFFF  }
0xc0: {  	_ =	task.clear_ibuf [dreg:s6], $0x2FFFF;
	_ =	strace $0x9FFFFFFF  }
0xc1: {  	(tm) =	ssettm $0x7FFFFFFF  }
tec
execute0_lowered:
.L_overlay_start_1:
0x0: {  	(tag) =	ssettag $0x1  }
0x1: {  	s1 =	srdreg.scid;
	s0 =	stileid.u32  }
0x2: {  	s5 =	rddreg [dreg:$0x0];
	s2 =	simm.s32 $0x0;
	s11 =	simm.s32 $0x7580  }
0x3: {  	s12 =	simm.s32 $0xEB00;
	s13 =	simm.s32 $0x11280;
	s14 =	simm.s32 $0x13A00  }
0x4: {  	s15 =	simm.s32 $0x16180;
	s3 =	sand.u32 $0x1, s1;
	s4 =	sshll.u32 s0, $0x1  }
0x5: {  	s16 =	simm.s32 $0x0;
	s1 =	rddreg [dreg:$0x1];
	s4 =	sor.u32 s3, s4  }
0x6: {  	[smem:$0x7FF] =	sst s2;
	s7 =	ssub.s32 $0x2, s3;
	s6 =	smul.u32 $0x4E2, s4  }
0x7: {  	_ =	strace $0x80000047;
	s3 =	sadd.s32 $0x14200, s5;
	s8 =	sshrl.u32 s7, $0x1  }
0x8: {  	s4 =	sadd.s32 $0x15200, s5;
	s10 =	ssub.s32 s7, s8;
	s9 =	sadd.s32 s6, s5  }
0x9: {  	s5 =	sadd.s32 $0xA400, s9;
	s6 =	sadd.s32 $0x600, s9;
	s7 =	sadd.s32 $0x16200, s9  }
0xa: {  	s8 =	sadd.s32 $0x20000, s9;
	s9 =	smax.u32 s10, $0x1;
	s10 =	simm.s32 $0x1  }
.LBB2_1:
0xb: {  	[tilespmem:s2], [sflag:$0x1] =	stream.linear.gather [hbm4b:s3+s2], $0x7580, $0x38;
	[tilespmem:$0x18900] =	vst v63  }
0xc: {  	_ =	swait.ge [sflag:s10], $0x7580  }
0xd: {  	[sflag:s10] =	ssyncset.done $0x0  }
0xe: {  	[sflag:s10] =	ssyncadd.s32 $0xFFFF8A80  }
0xf: {  	[tilespmem:s11], [sflag:$0x1] =	stream.linear.gather [hbm4b:s4+s2], $0x7580, $0x38;
	[tilespmem:$0x18900] =	vst v63  }
0x10: {  	_ =	swait.ge [sflag:s10], $0x7580  }
0x11: {  	[sflag:s10] =	ssyncset.done $0x0  }
0x12: {  	[sflag:s10] =	ssyncadd.s32 $0xFFFF8A80  }
0x13: {  	[tilespmem:s12], [sflag:$0x1] =	stream.linear.gather [hbm4b:s5+s2], $0x2710, $0x38;
	[tilespmem:$0x18900] =	vst v63  }
0x14: {  	_ =	swait.ge [sflag:s10], $0x2710  }
0x15: {  	[sflag:s10] =	ssyncset.done $0x0  }
0x16: {  	[sflag:s10] =	ssyncadd.s32 $0xFFFFD8F0  }
0x17: {  	[tilespmem:s13], [sflag:$0x1] =	stream.linear.gather [hbm4b:s6+s2], $0x2710, $0x38;
	[tilespmem:$0x18900] =	vst v63  }
0x18: {  	_ =	swait.ge [sflag:s10], $0x2710  }
0x19: {  	[sflag:s10] =	ssyncset.done $0x0  }
0x1a: {  	s18 =	simm.s32 $0x0;
	[sflag:s10] =	ssyncadd.s32 $0xFFFFD8F0  }
0x1b: {  	v0 =	vld [tilespmem:s18+$0xEB00];
	_ =	sdelay $0x1  }
0x1c: {  	v1 =	vld [tilespmem:s18+$0x11280];
	_ =	sdelay $0x2  }
0x1d: {  	v2 =	vmul.u32 $0x3, v0;
	_ =	sdelay $0x1  }
0x1e: {  	v1 =	vmul.u32 $0x3, v1;
	_ =	sdelay $0x1  }
0x1f: {  	v3 =	vadd.s32 $0x2, v2  }
0x20: {  	v5 =	vadd.s32 $0x1, v2  }
0x21: {  	v4 =	vadd.s32 $0x2, v1;
	v7 =	vld.idx.msk [tilespmem:v2+s2+$0x0], $0xffff  }
0x22: {  	v2 =	vld.idx.msk [tilespmem:v2+s11+$0x0], $0xffff  }
0x23: {  	v8 =	vadd.s32 $0x1, v1;
	v11 =	vld.idx.msk [tilespmem:v1+s2+$0x0], $0xffff  }
0x24: {  	v0 =	vld.idx.msk [tilespmem:v3+s11+$0x0], $0xffff  }
0x25: {  	v6 =	vld.idx.msk [tilespmem:v5+s11+$0x0], $0xffff  }
0x26: {  	v9 =	vld.idx.msk [tilespmem:v4+s2+$0x0], $0xffff  }
0x27: {  	v3 =	vld.idx.msk [tilespmem:v3+s2+$0x0], $0xffff  }
0x28: {  	v12 =	vld.idx.msk [tilespmem:v8+s2+$0x0], $0xffff  }
0x29: {  	v13 =	vld.idx.msk [tilespmem:v5+s2+$0x0], $0xffff  }
0x2a: {  	v5 =	vld.idx.msk [tilespmem:v8+s11+$0x0], $0xffff;
	v8 =	vmul.f32 v2, v2;
	v14 =	vmul.f32 v6, v6  }
0x2b: {  	v10 =	vld.idx.msk [tilespmem:v1+s11+$0x0], $0xffff;
	v1 =	vsub.f32 v7, v11  }
0x2c: {  	s17 =	simm.s32 $0x10;
	v15 =	vmul.f32 v0, v0;
	v11 =	vsub.f32 v3, v9;
	v9 =	vld.idx.msk [tilespmem:v4+s11+$0x0], $0xffff;
	v14 =	vadd.f32 v14, v8  }
0x2d: {  	v3 =	vld [tilespmem:s17+$0xEB00];
	v7 =	vmul.f32 v1, v1  }
0x2e: {  	s19 =	simm.s32 $0x80;
	v4 =	vld [tilespmem:s17+$0x11280];
	v8 =	vsub.f32 v13, v12;
	v11 =	vmul.f32 v11, v11;
	v1 =	vadd.f32 v15, v14  }
.LBB2_2:
0x2f: {  	p0 =	sne.s32 s19, $0x9C00;
	v12 =	vmul.f32 v5, v6;
	s20 =	smov.u32 s19;
	s19 =	sadd.s32 $0x40, s19  }
0x30: {  	v13 =	vmul.f32 v10, v10;
	v5 =	vmul.f32 v5, v5;
	v6 =	vshrl.u32 v1, $0x1  }
0x31: {  	v8 =	vmul.f32 v8, v8;
	v15 =	vmul.f32 $5.000000000e-01, v1;
	v14 =	vsub.s32 $0x5F3759DF, v6  }
0x32: {  	v13 =	vadd.f32 v5, v13;
	v16 =	vmul.f32 v9, v9;
	v6 =	vmul.u32 $0x3, v3  }
0x33: {  	v17 =	vadd.f32 v8, v7;
	v18 =	vmul.f32 v14, v15;
	v3 =	vmul.u32 $0x3, v4  }
0x34: {  	v13 =	vadd.f32 v16, v13;
	v5 =	vadd.s32 $0x1, v6;
	v8 =	vadd.s32 $0x2, v6  }
0x35: {  	v11 =	vadd.f32 v11, v17;
	v7 =	vadd.s32 $0x1, v3;
	v4 =	vadd.s32 $0x2, v3  }
0x36: {  	v16 =	vmul.f32 v14, v18;
	v17 =	vshrl.u32 v13, $0x1;
	v18 =	vmul.f32 $5.000000000e-01, v13  }
0x37: {  	v2 =	vmul.f32 v10, v2;
	v11 =	vadd.f32 $9.999999960e-13, v11;
	v17 =	vsub.s32 $0x5F3759DF, v17  }
0x38: {  	v19 =	vmul.f32 v13, v1;
	v10 =	vsub.f32 $1.500000000e+00, v16;
	v16 =	vmul.f32 v17, v18  }
0x39: {  	v2 =	vadd.f32 v12, v2;
	v20 =	vshrl.u32 v11, $0x1;
	v21 =	vmul.f32 $5.000000000e-01, v11  }
0x3a: {  	v10 =	vmul.f32 v14, v10;
	v12 =	vsub.s32 $0x5F3759DF, v20;
	v14 =	vmul.f32 v17, v16  }
0x3b: {  	v0 =	vmul.f32 v9, v0;
	v16 =	vmul.f32 v12, v21  }
0x3c: {  	v9 =	vmul.f32 v10, v15;
	v14 =	vsub.f32 $1.500000000e+00, v14  }
0x3d: {  	v16 =	vmul.f32 v12, v16  }
0x3e: {  	v9 =	vmul.f32 v9, v10;
	v14 =	vmul.f32 v17, v14  }
0x3f: {  	v16 =	vsub.f32 $1.500000000e+00, v16  }
0x40: {  	v9 =	vsub.f32 $1.500000000e+00, v9;
	v17 =	vmul.f32 v14, v18  }
0x41: {  	v12 =	vmul.f32 v12, v16  }
0x42: {  	v9 =	vmul.f32 v9, v10;
	v10 =	vmul.f32 v17, v14  }
0x43: {  	v16 =	vmul.f32 v12, v21  }
0x44: {  	v15 =	vmul.f32 v9, v15;
	v10 =	vsub.f32 $1.500000000e+00, v10  }
0x45: {  	v16 =	vmul.f32 v16, v12  }
0x46: {  	v15 =	vmul.f32 v15, v9;
	v10 =	vmul.f32 v10, v14  }
0x47: {  	v14 =	vsub.f32 $1.500000000e+00, v16  }
0x48: {  	v15 =	vsub.f32 $1.500000000e+00, v15;
	v16 =	vmul.f32 v10, v18  }
0x49: {  	v12 =	vmul.f32 v14, v12  }
0x4a: {  	v9 =	vmul.f32 v15, v9;
	v14 =	vmul.f32 v16, v10  }
0x4b: {  	v15 =	vmul.f32 v12, v21  }
0x4c: {  	v1 =	vmul.f32 v9, v1;
	v9 =	vsub.f32 $1.500000000e+00, v14  }
0x4d: {  	v14 =	vmul.f32 v15, v12  }
0x4e: {  	v9 =	vmul.f32 v9, v10  }
0x4f: {  	v10 =	vsub.f32 $1.500000000e+00, v14  }
0x50: {  	v9 =	vmul.f32 v9, v13  }
0x51: {  	v10 =	vmul.f32 v10, v12  }
0x52: {  	v1 =	vadd.f32 $9.999999710e-10, v1;
	v9 =	vadd.f32 $9.999999710e-10, v9  }
0x53: {  	v10 =	vmul.f32 v10, v11  }
0x54: {  	v1 =	vmul.f32 v9, v1  }
0x55: {  	v9 =	vmul.f32 $2.000000030e-01, v10  }
0x56: {  	(erf) = vrcp.f32 v1  }
0x57: {  	v1 =	vmul.f32 v9, v9;
	_ =	sdelay $0x1  }
0x58: {  	v1 =	vmul.f32 v1, v9;
	_ =	sdelay $0x1  }
0x59: {  	v1 =	vmul.f32 v1, v1;
	_ =	sdelay $0x1  }
0x5a: {  	v10 =	vmul.f32 v1, v9;
	v1 =	vmul.f32 $-2.800000000e+01, v1  }
0x5b: {  	v0 =	vadd.f32 v0, v2  }
0x5c: {  	v2 =	vmul.f32 v10, v9;
	v1 =	vadd.f32 $1.000000000e+00, v1;
	v10 =	vmul.f32 $4.800000000e+01, v10;
	v11 =	vpop (erf)  }
0x5d: {  	v0 =	vmul.f32 v11, v0  }
0x5e: {  	v1 =	vadd.f32 v10, v1;
	v2 =	vmul.f32 $-2.100000000e+01, v2  }
0x5f: {  	v0 =	vadd.f32 $1.009999990e+00, v0  }
0x60: {  	v1 =	vadd.f32 v2, v1  }
0x61: {  	vm0 =	vlt.f32 v9, $1.000000000e+00;
	v0 =	vmul.f32 $2.475247530e-01, v0  }
0x62: {  	v1 =	vnsel vm0, $0x0, v1  }
0x63: {  	[tilespmem:s18+$0x13A00] =	vst v0;
	v0 =	vmul.f32 v1, v19;
	_ =	sdelay $0x1  }
0x64: {  	[tilespmem:s18+$0x16180] =	vst v0;
	s18 =	smov.u32 s17  }
0x65: {  	v0 =	vld.idx.msk [tilespmem:v8+s11+$0x0], $0xffff  }
0x66: {  	v1 =	vld.idx.msk [tilespmem:v6+s2+$0x0], $0xffff  }
0x67: {  	v9 =	vld.idx.msk [tilespmem:v4+s2+$0x0], $0xffff  }
0x68: {  	v2 =	vld.idx.msk [tilespmem:v6+s11+$0x0], $0xffff  }
0x69: {  	v6 =	vld.idx.msk [tilespmem:v5+s11+$0x0], $0xffff  }
0x6a: {  	v11 =	vld.idx.msk [tilespmem:v3+s2+$0x0], $0xffff  }
0x6b: {  	v8 =	vld.idx.msk [tilespmem:v8+s2+$0x0], $0xffff  }
0x6c: {  	v12 =	vld.idx.msk [tilespmem:v7+s2+$0x0], $0xffff  }
0x6d: {  	v13 =	vld.idx.msk [tilespmem:v5+s2+$0x0], $0xffff  }
0x6e: {  	v5 =	vld.idx.msk [tilespmem:v7+s11+$0x0], $0xffff;
	v7 =	vmul.f32 v2, v2  }
.Ltmp0:
0x6f: {  	v10 =	vld.idx.msk [tilespmem:v3+s11+$0x0], $0xffff;
	v3 =	vmul.f32 v6, v6;
	(pc) =	sbr.rel @p0 .LBB2_2-.Ltmp0, $4  }
0x70: {  	v14 =	vmul.f32 v0, v0;
	v1 =	vsub.f32 v1, v11  }
0x71: {  	s17 =	sshra.s32 s20, $0x2;
	v11 =	vsub.f32 v8, v9;
	v9 =	vld.idx.msk [tilespmem:v4+s11+$0x0], $0xffff;
	v15 =	vadd.f32 v3, v7  }
0x72: {  	v7 =	vmul.f32 v1, v1;
	v3 =	vld [tilespmem:s17+$0xEB00]  }
0x73: {  	v8 =	vsub.f32 v13, v12;
	v11 =	vmul.f32 v11, v11;
	v4 =	vld [tilespmem:s17+$0x11280];
	v1 =	vadd.f32 v14, v15  }
0x74: {  	v12 =	vmul.f32 v10, v10  }
0x75: {  	v13 =	vmul.f32 v5, v5;
	v8 =	vmul.f32 v8, v8;
	_ =	sdelay $0x1  }
0x76: {  	v12 =	vadd.f32 v13, v12;
	v53 =	vmul.f32 v9, v9;
	v7 =	vadd.f32 v8, v7;
	_ =	sdelay $0x1  }
0x77: {  	v54 =	vshrl.u32 v1, $0x1;
	v12 =	vadd.f32 v53, v12;
	v7 =	vadd.f32 v11, v7  }
0x78: {  	v55 =	vmul.f32 $5.000000000e-01, v1;
	v8 =	vsub.s32 $0x5F3759DF, v54  }
0x79: {  	v13 =	vshrl.u32 v12, $0x1;
	v14 =	vmul.f32 $5.000000000e-01, v12;
	v7 =	vadd.f32 $9.999999960e-13, v7  }
0x7a: {  	v15 =	vmul.f32 v8, v55;
	v13 =	vsub.s32 $0x5F3759DF, v13  }
0x7b: {  	v16 =	vmul.f32 v13, v14;
	v17 =	vshrl.u32 v7, $0x1;
	v18 =	vmul.f32 $5.000000000e-01, v7  }
0x7c: {  	v15 =	vmul.f32 v8, v15;
	v17 =	vsub.s32 $0x5F3759DF, v17  }
0x7d: {  	v16 =	vmul.f32 v13, v16;
	v19 =	vmul.f32 v17, v18  }
0x7e: {  	v15 =	vsub.f32 $1.500000000e+00, v15  }
0x7f: {  	v16 =	vsub.f32 $1.500000000e+00, v16;
	v19 =	vmul.f32 v17, v19  }
0x80: {  	v8 =	vmul.f32 v8, v15  }
0x81: {  	v13 =	vmul.f32 v13, v16;
	v56 =	vsub.f32 $1.500000000e+00, v19  }
0x82: {  	v57 =	vmul.f32 v8, v55  }
0x83: {  	v58 =	vmul.f32 v13, v14;
	v15 =	vmul.f32 v17, v56  }
0x84: {  	v16 =	vmul.f32 v57, v8  }
0x85: {  	v59 =	vmul.f32 v58, v13;
	v60 =	vmul.f32 v15, v18  }
0x86: {  	v16 =	vsub.f32 $1.500000000e+00, v16  }
0x87: {  	v17 =	vsub.f32 $1.500000000e+00, v59;
	v19 =	vmul.f32 v60, v15  }
0x88: {  	v8 =	vmul.f32 v16, v8  }
0x89: {  	v13 =	vmul.f32 v17, v13;
	v61 =	vsub.f32 $1.500000000e+00, v19  }
0x8a: {  	v11 =	vmul.f32 v8, v55  }
0x8b: {  	v14 =	vmul.f32 v13, v14;
	v15 =	vmul.f32 v61, v15  }
0x8c: {  	v11 =	vmul.f32 v11, v8  }
0x8d: {  	v14 =	vmul.f32 v14, v13;
	v16 =	vmul.f32 v15, v18  }
0x8e: {  	v11 =	vsub.f32 $1.500000000e+00, v11  }
0x8f: {  	v14 =	vsub.f32 $1.500000000e+00, v14;
	v16 =	vmul.f32 v16, v15  }
0x90: {  	v8 =	vmul.f32 v11, v8  }
0x91: {  	v62 =	vmul.f32 v14, v13;
	v63 =	vsub.f32 $1.500000000e+00, v16  }
0x92: {  	v8 =	vmul.f32 v8, v1  }
0x93: {  	v11 =	vmul.f32 v62, v12;
	v13 =	vmul.f32 v63, v15;
	_ =	sdelay $0x1  }
0x94: {  	v8 =	vadd.f32 $9.999999710e-10, v8;
	v11 =	vadd.f32 $9.999999710e-10, v11;
	v7 =	vmul.f32 v13, v7;
	_ =	sdelay $0x1  }
0x95: {  	v8 =	vmul.f32 v11, v8;
	v7 =	vmul.f32 $2.000000030e-01, v7;
	_ =	sdelay $0x1  }
0x96: {  	(erf) = vrcp.f32 v8;
	v16 =	vmul.f32 v7, v7;
	_ =	sdelay $0x1  }
0x97: {  	v8 =	vmul.f32 v16, v7  }
0x98: {  	v2 =	vmul.f32 v10, v2;
	v17 =	vmul.f32 v5, v6  }
0x99: {  	v18 =	vmul.f32 v8, v8  }
0x9a: {  	v0 =	vmul.f32 v9, v0;
	v2 =	vadd.f32 v17, v2  }
0x9b: {  	v19 =	vmul.f32 v18, v7;
	v6 =	vmul.f32 $-2.800000000e+01, v18  }
0x9c: {  	v0 =	vadd.f32 v0, v2  }
0x9d: {  	v20 =	vmul.f32 v19, v7;
	v6 =	vadd.f32 $1.000000000e+00, v6;
	v5 =	vmul.f32 $4.800000000e+01, v19  }
0x9e: {  	v21 =	vpop (erf)  }
0x9f: {  	v0 =	vmul.f32 v21, v0;
	v5 =	vadd.f32 v5, v6;
	v2 =	vmul.f32 $-2.100000000e+01, v20  }
0xa0: {  	v3 =	vmul.u32 $0x3, v3  }
0xa1: {  	v4 =	vmul.u32 $0x3, v4;
	v0 =	vadd.f32 $1.009999990e+00, v0;
	v2 =	vadd.f32 v2, v5  }
0xa2: {  	v22 =	vadd.s32 $0x2, v3;
	v23 =	vmul.f32 v12, v1;
	vm0 =	vlt.f32 v7, $1.000000000e+00  }
0xa3: {  	v0 =	vmul.f32 $2.475247530e-01, v0;
	v2 =	vnsel vm0, $0x0, v2  }
0xa4: {  	v24 =	vadd.s32 $0x2, v4;
	v1 =	vmul.f32 v2, v23  }
0xa5: {  	[tilespmem:s18+$0x13A00] =	vst v0  }
0xa6: {  	v25 =	vadd.s32 $0x1, v3;
	[tilespmem:s18+$0x16180] =	vst v1  }
0xa7: {  	v1 =	vld.idx.msk [tilespmem:v22+s11+$0x0], $0xffff  }
0xa8: {  	v27 =	vadd.s32 $0x1, v4;
	v26 =	vld.idx.msk [tilespmem:v3+s2+$0x0], $0xffff  }
0xa9: {  	v28 =	vld.idx.msk [tilespmem:v24+s2+$0x0], $0xffff  }
0xaa: {  	v3 =	vld.idx.msk [tilespmem:v3+s11+$0x0], $0xffff  }
0xab: {  	v29 =	vld.idx.msk [tilespmem:v25+s11+$0x0], $0xffff  }
0xac: {  	v30 =	vld.idx.msk [tilespmem:v4+s2+$0x0], $0xffff  }
0xad: {  	v31 =	vld.idx.msk [tilespmem:v27+s2+$0x0], $0xffff  }
0xae: {  	v0 =	vld.idx.msk [tilespmem:v25+s2+$0x0], $0xffff  }
0xaf: {  	v4 =	vld.idx.msk [tilespmem:v4+s11+$0x0], $0xffff  }
0xb0: {  	v7 =	vld.idx.msk [tilespmem:v27+s11+$0x0], $0xffff  }
0xb1: {  	v5 =	vld.idx.msk [tilespmem:v22+s2+$0x0], $0xffff  }
0xb2: {  	v6 =	vld.idx.msk [tilespmem:v24+s11+$0x0], $0xffff  }
0xb3: {  	v32 =	vmul.f32 v3, v3;
	v33 =	vmul.f32 v29, v29  }
0xb4: {  	v2 =	vsub.f32 v26, v30;
	v34 =	vmul.f32 v1, v1;
	v0 =	vsub.f32 v0, v31  }
0xb5: {  	v36 =	vmul.f32 v4, v4;
	v37 =	vmul.f32 v7, v7  }
0xb6: {  	v5 =	vsub.f32 v5, v28;
	v2 =	vmul.f32 v2, v2;
	v0 =	vmul.f32 v0, v0  }
0xb7: {  	v39 =	vmul.f32 v6, v6;
	v35 =	vadd.f32 v33, v32;
	v38 =	vadd.f32 v37, v36  }
0xb8: {  	v5 =	vmul.f32 v5, v5;
	v0 =	vadd.f32 v0, v2  }
0xb9: {  	v8 =	vadd.f32 v34, v35;
	v10 =	vadd.f32 v39, v38  }
0xba: {  	v0 =	vadd.f32 v5, v0  }
0xbb: {  	v40 =	vshrl.u32 v8, $0x1;
	v41 =	vmul.f32 $5.000000000e-01, v8;
	v11 =	vshrl.u32 v10, $0x1  }
0xbc: {  	v42 =	vmul.f32 $5.000000000e-01, v10;
	v2 =	vsub.s32 $0x5F3759DF, v40;
	v0 =	vadd.f32 $9.999999960e-13, v0  }
0xbd: {  	v11 =	vsub.s32 $0x5F3759DF, v11;
	v43 =	vmul.f32 v2, v41  }
0xbe: {  	v44 =	vmul.f32 v11, v42;
	v45 =	vshrl.u32 v0, $0x1;
	v46 =	vmul.f32 $5.000000000e-01, v0  }
0xbf: {  	v13 =	vmul.f32 v2, v43;
	v15 =	vsub.s32 $0x5F3759DF, v45  }
0xc0: {  	v14 =	vmul.f32 v11, v44;
	v47 =	vmul.f32 v15, v46  }
0xc1: {  	v13 =	vsub.f32 $1.500000000e+00, v13  }
0xc2: {  	v14 =	vsub.f32 $1.500000000e+00, v14;
	v17 =	vmul.f32 v15, v47  }
0xc3: {  	v2 =	vmul.f32 v2, v13  }
0xc4: {  	v11 =	vmul.f32 v11, v14;
	v48 =	vsub.f32 $1.500000000e+00, v17  }
0xc5: {  	v49 =	vmul.f32 v2, v41  }
0xc6: {  	v50 =	vmul.f32 v11, v42;
	v13 =	vmul.f32 v15, v48  }
0xc7: {  	v14 =	vmul.f32 v49, v2  }
0xc8: {  	v51 =	vmul.f32 v50, v11;
	v52 =	vmul.f32 v13, v46  }
0xc9: {  	v14 =	vsub.f32 $1.500000000e+00, v14  }
0xca: {  	v15 =	vsub.f32 $1.500000000e+00, v51;
	v17 =	vmul.f32 v52, v13  }
0xcb: {  	v2 =	vmul.f32 v14, v2  }
0xcc: {  	v11 =	vmul.f32 v15, v11;
	v53 =	vsub.f32 $1.500000000e+00, v17  }
0xcd: {  	v5 =	vmul.f32 v2, v41  }
0xce: {  	v12 =	vmul.f32 v11, v42;
	v13 =	vmul.f32 v53, v13  }
0xcf: {  	v5 =	vmul.f32 v5, v2  }
0xd0: {  	v12 =	vmul.f32 v12, v11;
	v14 =	vmul.f32 v13, v46  }
0xd1: {  	v5 =	vsub.f32 $1.500000000e+00, v5  }
0xd2: {  	v12 =	vsub.f32 $1.500000000e+00, v12;
	v14 =	vmul.f32 v14, v13  }
0xd3: {  	v2 =	vmul.f32 v5, v2  }
0xd4: {  	v54 =	vmul.f32 v12, v11;
	v55 =	vsub.f32 $1.500000000e+00, v14  }
0xd5: {  	v2 =	vmul.f32 v2, v8  }
0xd6: {  	v5 =	vmul.f32 v54, v10;
	v11 =	vmul.f32 v55, v13;
	_ =	sdelay $0x1  }
0xd7: {  	v2 =	vadd.f32 $9.999999710e-10, v2;
	v5 =	vadd.f32 $9.999999710e-10, v5;
	v0 =	vmul.f32 v11, v0;
	_ =	sdelay $0x1  }
0xd8: {  	v2 =	vmul.f32 v5, v2;
	v0 =	vmul.f32 $2.000000030e-01, v0;
	_ =	sdelay $0x1  }
0xd9: {  	(erf) = vrcp.f32 v2;
	v56 =	vmul.f32 v0, v0;
	_ =	sdelay $0x1  }
0xda: {  	v2 =	vmul.f32 v56, v0  }
0xdb: {  	v57 =	vmul.f32 v7, v29;
	v3 =	vmul.f32 v4, v3  }
0xdc: {  	v2 =	vmul.f32 v2, v2  }
0xdd: {  	v1 =	vmul.f32 v6, v1;
	v3 =	vadd.f32 v57, v3  }
0xde: {  	v58 =	vmul.f32 v2, v0;
	v2 =	vmul.f32 $-2.800000000e+01, v2  }
0xdf: {  	v1 =	vadd.f32 v1, v3  }
0xe0: {  	v59 =	vmul.f32 v58, v0;
	v2 =	vadd.f32 $1.000000000e+00, v2;
	v4 =	vmul.f32 $4.800000000e+01, v58  }
0xe1: {  	v60 =	vpop (erf)  }
0xe2: {  	v1 =	vmul.f32 v60, v1;
	v2 =	vadd.f32 v4, v2;
	v3 =	vmul.f32 $-2.100000000e+01, v59;
	_ =	sdelay $0x1  }
0xe3: {  	v1 =	vadd.f32 $1.009999990e+00, v1;
	v2 =	vadd.f32 v3, v2  }
0xe4: {  	v61 =	vmul.f32 v10, v8;
	vm15 =	vlt.f32 v0, $1.000000000e+00  }
0xe5: {  	v62 =	vmul.f32 $2.475247530e-01, v1;
	v63 =	vnsel vm15, $0x0, v2  }
0xe6: {  	v1 =	vmul.f32 v63, v61  }
0xe7: {  	[tilespmem:s17+$0x13A00] =	vst v62  }
0xe8: {  	[tilespmem:s17+$0x16180] =	vst v1  }
0xe9: {  	[hbm4b:s7+s2] =	stream.linear.scatter [tilespmem:s14], [sflag:$0x1], $0x2710, $0x38;
	[tilespmem:$0x18900] =	vst v63  }
0xea: {  	s16 =	sadd.s32 $0x1, s16;
	_ =	swait.ge [sflag:s10], $0x2710  }
0xeb: {  	p0 =	sne.s32 s16, s9;
	[sflag:s10] =	ssyncset.done $0x0  }
.Ltmp1:
0xec: {  	[sflag:s10] =	ssyncadd.s32 $0xFFFFD8F0;
	(pc) =	sbr.rel @p0 .LBB2_1-.Ltmp1, $4  }
0xed: {  	[hbm4b:s8+s2] =	stream.linear.scatter [tilespmem:s15], [sflag:$0x1], $0x2710, $0x38;
	[tilespmem:$0x18900] =	vst v63  }
0xee: {  	_ =	swait.ge [sflag:s10], $0x2710  }
0xef: {  	[sflag:s10] =	ssyncset.done $0x0  }
0xf0: {  	[sflag:s10] =	ssyncadd.s32 $0xFFFFD8F0  }
0xf1: {  	_ =	sfence.sel $0x180000  }
0xf2: {  	[bflag:$0x0] =	sbarrier.arrive $0xFFFF  }
0xf3: {  	p0 =	sne.s32 s0, $0x0;
	_ =	strace $0x90000047  }
0xf4: {  	s0 =	sadd.s32 @!p0 $0x100000, s1;
	[bflag:$0x2] =	sbarrier.arrive $0xFFFF  }
0xf5: {  	[sflag:s0] =	ssyncadd.tile.s32 @!p0 $0x1;
	_ =	shalt  }
.Lfunc_end2:
_tile_overlayer_lowered:
.L_overlay_start_2:
0xf6: {  	(tag) =	ssettag $0x2  }
0xf7: {  	s0 =	rddreg [dreg:$0x0];
	s2 =	stileid.u32  }
0xf8: {  	s1 =	rddreg [dreg:$0x1];
	p0 =	sne.s32 s2, $0x0  }
0xf9: {  	s3 =	rddreg [dreg:$0x2];
	[bflag:$0x3] =	sbarrier.arrive $0xFFFF;
	s2 =	simm.s32 @!p0 $0x1C01  }
0xfa: {  	[timem:s3], [sflag:s2] =	dma.local @!p0 [hbm:s0], s1  }
0xfb: {  	s0 =	simm.s32 @!p0 $0x1  }
0xfc: {  	_ =	swait.ge @!p0 [sflag:s0], s1  }
0xfd: {  	s1 =	ssub.s32 @!p0 $0x0, s1;
	[sflag:s0] =	ssyncset.done @!p0 $0x0  }
0xfe: {  	[sflag:s0] =	ssyncadd.s32 @!p0 s1  }
0xff: {  	[bflag:$0x3] =	sbarrier.arrive $0xFFFF  }
0x100: {  	_ =	shalt  }

</sc_bundles>
